<compile_context>
chip_gen: v7x
topology: tpu7x:2x2x1
jax: 0.10.2.dev20260603
libtpu: 0.0.44.dev20260713+nightly
codegen_flags: <defaults>
</compile_context>

<pallas_src>
import functools

import jax
import jax.numpy as jnp
from jax import lax
from jax.experimental import pallas as pl
from jax.experimental.pallas import tpu as pltpu
from jax.experimental.pallas import tpu_sc as plsc

_N = 5000
_CONF_THRE = 0.1
_NMS_THRE = 0.45
_BL = 512
_NB = 10
_NP = _NB * _BL
_CH = 2
_NCOL = 7
_SLC = _NP // 32


_FLAT = _NCOL * _NP
_PER_W = _FLAT // 32
_GCH = 80


def _gather_body(predt_hbm, order7_hbm, out_hbm, idx_v, ob_v, sem):
    wid = lax.axis_index("s") * 2 + lax.axis_index("c")
    base = wid * _PER_W
    pltpu.sync_copy(order7_hbm.at[pl.ds(base, _PER_W)], idx_v)
    copies = []
    for k in range(_PER_W // _GCH):
        copies.append(pltpu.async_copy(
            predt_hbm.at[idx_v.at[pl.ds(k * _GCH, _GCH)]],
            ob_v.at[pl.ds(k * _GCH, _GCH)], sem))
    for cp in copies:
        cp.wait()
    pltpu.sync_copy(ob_v, out_hbm.at[pl.ds(base, _PER_W)])


def _sc_gather(predt_p, order7):
    mesh = plsc.VectorSubcoreMesh(core_axis_name="c", subcore_axis_name="s")
    f = functools.partial(
        pl.kernel,
        mesh=mesh,
        out_type=jax.ShapeDtypeStruct((_FLAT,), jnp.float32),
        scratch_types=[
            pltpu.VMEM((_PER_W,), jnp.int32),
            pltpu.VMEM((_PER_W,), jnp.float32),
            pltpu.SemaphoreType.DMA,
        ],
    )(_gather_body)
    return f(predt_p, order7)


def _nms_body(d_ref, o_ref, sx1, sy1, sx2, sy2, sar, sva, skp):
    x1 = d_ref[0]
    y1 = d_ref[1]
    x2 = d_ref[2]
    y2 = d_ref[3]
    score = d_ref[4] * d_ref[5]
    cls = d_ref[6]
    valid = score >= _CONF_THRE
    max_coord = jnp.max(jnp.where(valid, jnp.maximum(x2, y2), 0.0)) + 1.0
    off = cls * max_coord
    sx1[...] = x1 + off
    sy1[...] = y1 + off
    sx2[...] = x2 + off
    sy2[...] = y2 + off
    sar[...] = (x2 - x1) * (y2 - y1)
    sva[...] = valid.astype(jnp.float32)
    skp[...] = jnp.zeros((_NB, _BL), jnp.float32)

    tri = (jax.lax.broadcasted_iota(jnp.int32, (_BL, _BL), 0)
           < jax.lax.broadcasted_iota(jnp.int32, (_BL, _BL), 1)
           ).astype(jnp.float32)

    def block_step(b, carry):
        @pl.when(jnp.any(sva[pl.ds(b, 1), :] > 0.0))
        def _():
            rx1 = sx1[pl.ds(b, 1), :]
            ry1 = sy1[pl.ds(b, 1), :]
            rx2 = sx2[pl.ds(b, 1), :]
            ry2 = sy2[pl.ds(b, 1), :]
            rar = sar[pl.ds(b, 1), :]
            cx1 = jnp.transpose(rx1)
            cy1 = jnp.transpose(ry1)
            cx2 = jnp.transpose(rx2)
            cy2 = jnp.transpose(ry2)
            car = jnp.transpose(rar)

            def cross(ci, acc):
                base = ci * _CH
                for u in range(_CH):
                    a = base + u
                    ax1 = sx1[pl.ds(a, 1), :]
                    ay1 = sy1[pl.ds(a, 1), :]
                    ax2 = sx2[pl.ds(a, 1), :]
                    ay2 = sy2[pl.ds(a, 1), :]
                    aar = sar[pl.ds(a, 1), :]
                    ka = skp[pl.ds(a, 1), :]
                    iw = jnp.maximum(
                        jnp.minimum(cx2, ax2) - jnp.maximum(cx1, ax1), 0.0)
                    ih = jnp.maximum(
                        jnp.minimum(cy2, ay2) - jnp.maximum(cy1, ay1), 0.0)
                    inter = iw * ih
                    union = jnp.maximum(car + aar - inter, 1e-9)
                    hit = jnp.where(inter / union > _NMS_THRE, ka, 0.0)
                    acc = jnp.maximum(acc, hit)
                return acc

            nch = (b + _CH - 1) // _CH
            acc = jax.lax.fori_loop(
                0, nch, cross, jnp.zeros((_BL, _BL), jnp.float32))
            supp = jnp.max(acc, axis=1, keepdims=True) > 0.0
            veff = jnp.where(jnp.transpose(supp), 0.0, sva[pl.ds(b, 1), :])

            iw = jnp.maximum(jnp.minimum(cx2, rx2) - jnp.maximum(cx1, rx1),
                             0.0)
            ih = jnp.maximum(jnp.minimum(cy2, ry2) - jnp.maximum(cy1, ry1),
                             0.0)
            inter = iw * ih
            union = jnp.maximum(car + rar - inter, 1e-9)
            mbb = jnp.where(inter / union > _NMS_THRE, 1.0, 0.0) * tri

            def w_cond(c):
                return jnp.logical_not(c[1])

            def w_body(c):
                k = c[0]
                s = jax.lax.dot_general(k, mbb, (((1,), (0,)), ((), ())),
                                        preferred_element_type=jnp.float32)
                nk = jnp.where(s > 0.0, 0.0, veff)
                return (nk, jnp.all(nk == k))

            kfin, _ = jax.lax.while_loop(w_cond, w_body,
                                         (veff, jnp.array(False)))
            skp[pl.ds(b, 1), :] = kfin

        return carry

    jax.lax.fori_loop(0, _NB, block_step, 0)
    o_ref[...] = d_ref[...] * skp[...][None]


def kernel(pred):
    scores = pred[:, 4] * pred[:, 5]
    conf_mask = scores >= _CONF_THRE
    order = jnp.argsort(-jnp.where(conf_mask, scores, -jnp.inf))
    order_p = jnp.concatenate(
        [order.astype(jnp.int32),
         jnp.full(_NP - _N, _NP - 1, jnp.int32)])
    order7 = (order_p[None, :]
              + (_NP * jnp.arange(_NCOL, dtype=jnp.int32))[:, None]
              ).reshape(_NCOL * _NP)
    predt_p = jnp.concatenate(
        [pred.T, jnp.zeros((_NCOL, _NP - _N), jnp.float32)],
        axis=1).reshape(_NCOL * _NP)
    d3 = _sc_gather(predt_p, order7).reshape(_NCOL, _NB, _BL)
    out3 = pl.pallas_call(
        _nms_body,
        out_shape=jax.ShapeDtypeStruct((_NCOL, _NB, _BL), jnp.float32),
        scratch_shapes=[pltpu.VMEM((_NB, _BL), jnp.float32)] * 7,
    )(d3)
    return out3.reshape(_NCOL, _NP).T[:_N]

# --- scband reference (transcript-rebuilt; emitter-appended) ---
"""Pipeline reference for scband-ttamodule-48378511622655 (READ-ONLY COPY).

The authoritative reference and input builder live on the scoring server;
editing this copy changes nothing except your own understanding.
"""

import jax, jax.numpy as jnp
import numpy as np

N = 5000
NUM_CLASSES = 8
CONF_THRE = 0.1
NMS_THRE = 0.45


def setup_inputs(seed: int = 0) -> dict:
    key = jax.random.key(seed)
    k1, k2, k3, k4, k5, k6 = jax.random.split(key, 6)
    x1 = jax.random.uniform(k1, (N,), dtype=jnp.float32) * 600.0
    y1 = jax.random.uniform(k2, (N,), dtype=jnp.float32) * 600.0
    wh = jax.random.uniform(k3, (N, 2), dtype=jnp.float32) * 100.0 + 4.0
    obj_conf = jax.random.uniform(k4, (N,), dtype=jnp.float32)
    cls_conf = jax.random.uniform(k5, (N,), dtype=jnp.float32)
    cls_idx = jax.random.randint(k6, (N,), 0, NUM_CLASSES).astype(jnp.float32)
    pred = jnp.stack([x1, y1, x1 + wh[:, 0], y1 + wh[:, 1], obj_conf, cls_conf, cls_idx], axis=1)
    return {"pred": pred}


def _pairwise_iou(boxes):
    x1 = boxes[:, 0]; y1 = boxes[:, 1]; x2 = boxes[:, 2]; y2 = boxes[:, 3]
    area = (x2 - x1) * (y2 - y1)
    ix1 = jnp.maximum(x1[:, None], x1[None, :])
    iy1 = jnp.maximum(y1[:, None], y1[None, :])
    ix2 = jnp.minimum(x2[:, None], x2[None, :])
    iy2 = jnp.minimum(y2[:, None], y2[None, :])
    iw = jnp.clip(ix2 - ix1, 0.0)
    ih = jnp.clip(iy2 - iy1, 0.0)
    inter = iw * ih
    union = area[:, None] + area[None, :] - inter
    return inter / jnp.maximum(union, 1e-9)


def reference(pred):
    # Faithful jax translation of tta_postprocess for a single pred tensor
    # pred: (N, 7) = [x1, y1, x2, y2, obj_conf, cls_conf, cls_idx]
    n = pred.shape[0]
    scores = pred[:, 4] * pred[:, 5]
    conf_mask = scores >= CONF_THRE  # detections = detections[conf_mask] -> kept as mask (static shape)
    # sort by score descending (invalid boxes pushed to the end)
    order = jnp.argsort(-jnp.where(conf_mask, scores, -jnp.inf))
    det = jnp.take(pred, order, axis=0)
    valid = jnp.take(conf_mask, order, axis=0)
    boxes = det[:, :4]
    cls = det[:, 6]
    # batched_nms trick: offset boxes per class so different classes never overlap
    max_coord = jnp.max(jnp.where(valid[:, None], boxes, 0.0)) + 1.0
    offset_boxes = boxes + (cls * max_coord)[:, None]
    iou = _pairwise_iou(offset_boxes)
    idx = jnp.arange(n)

    def body(i, keep):
        supp = jnp.any((idx < i) & keep & (iou[:, i] > NMS_THRE))
        return keep.at[i].set(keep[i] & jnp.logical_not(supp))

    keep = jax.lax.fori_loop(0, n, body, valid)
    keep = jax.lax.stop_gradient(keep)
    # fixed-shape output: surviving detections, suppressed rows zeroed
    out = det * keep[:, None].astype(det.dtype)
    return out

if __name__ == "__main__":
    import jax
    _d = setup_inputs()
    print(jax.jit(kernel)(*tuple(_d.values())))

</pallas_src>

<mosaic_0001>
#map = affine_map<(d0, d1) -> (0)>
module attributes {stable_mosaic.version = 14 : i64} {
  func.func @_gather_body(%arg0: i32, %arg1: i32, %arg2: memref<35840xf32, #tpu.memory_space<hbm>>, %arg3: memref<35840xi32, #tpu.memory_space<hbm>>, %arg4: memref<35840xf32, #tpu.memory_space<hbm>>, %arg5: memref<1120xi32, #tpu.memory_space<vmem>>, %arg6: memref<1120xf32, #tpu.memory_space<vmem>>, %arg7: memref<!tpu.dma_semaphore, #tpu.memory_space<semaphore_mem>>) attributes {dimension_semantics = [#tpu.dimension_semantics<core_parallel>, #tpu.dimension_semantics<subcore_parallel>], iteration_bounds = array<i64: 2, 16>, scalar_prefetch = 0 : i64, scratch_operands = 3 : i64, tpu.core_type = #tpu.core_type<sc_vector_subcore>, window_params = [{transform_indices = #map}, {transform_indices = #map}, {transform_indices = #map}]} {
    %mul3A = arith.constant 2 : i32
    %mul3A_0 = arith.muli %arg1, %mul3A : i32
    %add3A = arith.addi %mul3A_0, %arg0 : i32
    %mul3A_1 = arith.constant 1120 : i32
    %mul3A_2 = arith.muli %add3A, %mul3A_1 : i32
    "tpu.region"() ({
      %run_scoped3A = tpu.sem_alloc : memref<!tpu.dma_semaphore, #tpu.memory_space<semaphore_mem>>
      %dma_start3A_169 = tpu.memref_slice %arg3[%mul3A_2] : memref<35840xi32, #tpu.memory_space<hbm>> -> memref<1120xi32, #tpu.memory_space<hbm>>
      %dma_start3A_170 = tpu.memref_slice %arg3[%mul3A_2] : memref<35840xi32, #tpu.memory_space<hbm>> -> memref<1120xi32, #tpu.memory_space<hbm>>
      tpu.enqueue_dma source(%dma_start3A_170 : memref<1120xi32, #tpu.memory_space<hbm>>) target(%arg5 : memref<1120xi32, #tpu.memory_space<vmem>>) target_semaphore(%run_scoped3A : memref<!tpu.dma_semaphore, #tpu.memory_space<semaphore_mem>>)
      %dma_wait3A_171 = tpu.memref_slice %arg3[%mul3A_2] : memref<35840xi32, #tpu.memory_space<hbm>> -> memref<1120xi32, #tpu.memory_space<hbm>>
      %dma_wait3A_172 = tpu.memref_slice %arg3[%mul3A_2] : memref<35840xi32, #tpu.memory_space<hbm>> -> memref<1120xi32, #tpu.memory_space<hbm>>
      tpu.wait_dma2 semaphore(%run_scoped3A : memref<!tpu.dma_semaphore, #tpu.memory_space<semaphore_mem>>) src(%dma_wait3A_172 : memref<1120xi32, #tpu.memory_space<hbm>>) dst(%arg5 : memref<1120xi32, #tpu.memory_space<vmem>>)
      tpu.yield
    }) : () -> ()
    %dma_start3A = arith.constant 0 : i32
    %dma_start3A_3 = tpu.memref_slice %arg6[%dma_start3A] : memref<1120xf32, #tpu.memory_space<vmem>> -> memref<80xf32, #tpu.memory_space<vmem>>
    %dma_start3A_4 = arith.constant 0 : i32
    %dma_start3A_5 = tpu.memref_slice %arg5[%dma_start3A_4] : memref<1120xi32, #tpu.memory_space<vmem>> -> memref<80xi32, #tpu.memory_space<vmem>>
    %dma_start3A_6 = arith.constant 0 : i32
    %dma_start3A_7 = tpu.memref_slice %arg2[%dma_start3A_6] : memref<35840xf32, #tpu.memory_space<hbm>> -> memref<35840xf32, #tpu.memory_space<hbm>>
    tpu.enqueue_indirect_dma source(%dma_start3A_7 : memref<35840xf32, #tpu.memory_space<hbm>>) target(%dma_start3A_3 : memref<80xf32, #tpu.memory_space<vmem>>) offsets(%dma_start3A_5 : memref<80xi32, #tpu.memory_space<vmem>>) semaphore(%arg7 : memref<!tpu.dma_semaphore, #tpu.memory_space<semaphore_mem>>)
    %dma_start3A_8 = arith.constant 80 : i32
    %dma_start3A_9 = tpu.memref_slice %arg6[%dma_start3A_8] : memref<1120xf32, #tpu.memory_space<vmem>> -> memref<80xf32, #tpu.memory_space<vmem>>
    %dma_start3A_10 = arith.constant 80 : i32
    %dma_start3A_11 = tpu.memref_slice %arg5[%dma_start3A_10] : memref<1120xi32, #tpu.memory_space<vmem>> -> memref<80xi32, #tpu.memory_space<vmem>>
    %dma_start3A_12 = arith.constant 0 : i32
    %dma_start3A_13 = tpu.memref_slice %arg2[%dma_start3A_12] : memref<35840xf32, #tpu.memory_space<hbm>> -> memref<35840xf32, #tpu.memory_space<hbm>>
    tpu.enqueue_indirect_dma source(%dma_start3A_13 : memref<35840xf32, #tpu.memory_space<hbm>>) target(%dma_start3A_9 : memref<80xf32, #tpu.memory_space<vmem>>) offsets(%dma_start3A_11 : memref<80xi32, #tpu.memory_space<vmem>>) semaphore(%arg7 : memref<!tpu.dma_semaphore, #tpu.memory_space<semaphore_mem>>)
    %dma_start3A_14 = arith.constant 160 : i32
    %dma_start3A_15 = tpu.memref_slice %arg6[%dma_start3A_14] : memref<1120xf32, #tpu.memory_space<vmem>> -> memref<80xf32, #tpu.memory_space<vmem>>
    %dma_start3A_16 = arith.constant 160 : i32
    %dma_start3A_17 = tpu.memref_slice %arg5[%dma_start3A_16] : memref<1120xi32, #tpu.memory_space<vmem>> -> memref<80xi32, #tpu.memory_space<vmem>>
    %dma_start3A_18 = arith.constant 0 : i32
    %dma_start3A_19 = tpu.memref_slice %arg2[%dma_start3A_18] : memref<35840xf32, #tpu.memory_space<hbm>> -> memref<35840xf32, #tpu.memory_space<hbm>>
    tpu.enqueue_indirect_dma source(%dma_start3A_19 : memref<35840xf32, #tpu.memory_space<hbm>>) target(%dma_start3A_15 : memref<80xf32, #tpu.memory_space<vmem>>) offsets(%dma_start3A_17 : memref<80xi32, #tpu.memory_space<vmem>>) semaphore(%arg7 : memref<!tpu.dma_semaphore, #tpu.memory_space<semaphore_mem>>)
    %dma_start3A_20 = arith.constant 240 : i32
    %dma_start3A_21 = tpu.memref_slice %arg6[%dma_start3A_20] : memref<1120xf32, #tpu.memory_space<vmem>> -> memref<80xf32, #tpu.memory_space<vmem>>
    %dma_start3A_22 = arith.constant 240 : i32
    %dma_start3A_23 = tpu.memref_slice %arg5[%dma_start3A_22] : memref<1120xi32, #tpu.memory_space<vmem>> -> memref<80xi32, #tpu.memory_space<vmem>>
    %dma_start3A_24 = arith.constant 0 : i32
    %dma_start3A_25 = tpu.memref_slice %arg2[%dma_start3A_24] : memref<35840xf32, #tpu.memory_space<hbm>> -> memref<35840xf32, #tpu.memory_space<hbm>>
    tpu.enqueue_indirect_dma source(%dma_start3A_25 : memref<35840xf32, #tpu.memory_space<hbm>>) target(%dma_start3A_21 : memref<80xf32, #tpu.memory_space<vmem>>) offsets(%dma_start3A_23 : memref<80xi32, #tpu.memory_space<vmem>>) semaphore(%arg7 : memref<!tpu.dma_semaphore, #tpu.memory_space<semaphore_mem>>)
    %dma_start3A_26 = arith.constant 320 : i32
    %dma_start3A_27 = tpu.memref_slice %arg6[%dma_start3A_26] : memref<1120xf32, #tpu.memory_space<vmem>> -> memref<80xf32, #tpu.memory_space<vmem>>
    %dma_start3A_28 = arith.constant 320 : i32
    %dma_start3A_29 = tpu.memref_slice %arg5[%dma_start3A_28] : memref<1120xi32, #tpu.memory_space<vmem>> -> memref<80xi32, #tpu.memory_space<vmem>>
    %dma_start3A_30 = arith.constant 0 : i32
    %dma_start3A_31 = tpu.memref_slice %arg2[%dma_start3A_30] : memref<35840xf32, #tpu.memory_space<hbm>> -> memref<35840xf32, #tpu.memory_space<hbm>>
    tpu.enqueue_indirect_dma source(%dma_start3A_31 : memref<35840xf32, #tpu.memory_space<hbm>>) target(%dma_start3A_27 : memref<80xf32, #tpu.memory_space<vmem>>) offsets(%dma_start3A_29 : memref<80xi32, #tpu.memory_space<vmem>>) semaphore(%arg7 : memref<!tpu.dma_semaphore, #tpu.memory_space<semaphore_mem>>)
    %dma_start3A_32 = arith.constant 400 : i32
    %dma_start3A_33 = tpu.memref_slice %arg6[%dma_start3A_32] : memref<1120xf32, #tpu.memory_space<vmem>> -> memref<80xf32, #tpu.memory_space<vmem>>
    %dma_start3A_34 = arith.constant 400 : i32
    %dma_start3A_35 = tpu.memref_slice %arg5[%dma_start3A_34] : memref<1120xi32, #tpu.memory_space<vmem>> -> memref<80xi32, #tpu.memory_space<vmem>>
    %dma_start3A_36 = arith.constant 0 : i32
    %dma_start3A_37 = tpu.memref_slice %arg2[%dma_start3A_36] : memref<35840xf32, #tpu.memory_space<hbm>> -> memref<35840xf32, #tpu.memory_space<hbm>>
    tpu.enqueue_indirect_dma source(%dma_start3A_37 : memref<35840xf32, #tpu.memory_space<hbm>>) target(%dma_start3A_33 : memref<80xf32, #tpu.memory_space<vmem>>) offsets(%dma_start3A_35 : memref<80xi32, #tpu.memory_space<vmem>>) semaphore(%arg7 : memref<!tpu.dma_semaphore, #tpu.memory_space<semaphore_mem>>)
    %dma_start3A_38 = arith.constant 480 : i32
    %dma_start3A_39 = tpu.memref_slice %arg6[%dma_start3A_38] : memref<1120xf32, #tpu.memory_space<vmem>> -> memref<80xf32, #tpu.memory_space<vmem>>
    %dma_start3A_40 = arith.constant 480 : i32
    %dma_start3A_41 = tpu.memref_slice %arg5[%dma_start3A_40] : memref<1120xi32, #tpu.memory_space<vmem>> -> memref<80xi32, #tpu.memory_space<vmem>>
    %dma_start3A_42 = arith.constant 0 : i32
    %dma_start3A_43 = tpu.memref_slice %arg2[%dma_start3A_42] : memref<35840xf32, #tpu.memory_space<hbm>> -> memref<35840xf32, #tpu.memory_space<hbm>>
    tpu.enqueue_indirect_dma source(%dma_start3A_43 : memref<35840xf32, #tpu.memory_space<hbm>>) target(%dma_start3A_39 : memref<80xf32, #tpu.memory_space<vmem>>) offsets(%dma_start3A_41 : memref<80xi32, #tpu.memory_space<vmem>>) semaphore(%arg7 : memref<!tpu.dma_semaphore, #tpu.memory_space<semaphore_mem>>)
    %dma_start3A_44 = arith.constant 560 : i32
    %dma_start3A_45 = tpu.memref_slice %arg6[%dma_start3A_44] : memref<1120xf32, #tpu.memory_space<vmem>> -> memref<80xf32, #tpu.memory_space<vmem>>
    %dma_start3A_46 = arith.constant 560 : i32
    %dma_start3A_47 = tpu.memref_slice %arg5[%dma_start3A_46] : memref<1120xi32, #tpu.memory_space<vmem>> -> memref<80xi32, #tpu.memory_space<vmem>>
    %dma_start3A_48 = arith.constant 0 : i32
    %dma_start3A_49 = tpu.memref_slice %arg2[%dma_start3A_48] : memref<35840xf32, #tpu.memory_space<hbm>> -> memref<35840xf32, #tpu.memory_space<hbm>>
    tpu.enqueue_indirect_dma source(%dma_start3A_49 : memref<35840xf32, #tpu.memory_space<hbm>>) target(%dma_start3A_45 : memref<80xf32, #tpu.memory_space<vmem>>) offsets(%dma_start3A_47 : memref<80xi32, #tpu.memory_space<vmem>>) semaphore(%arg7 : memref<!tpu.dma_semaphore, #tpu.memory_space<semaphore_mem>>)
    %dma_start3A_50 = arith.constant 640 : i32
    %dma_start3A_51 = tpu.memref_slice %arg6[%dma_start3A_50] : memref<1120xf32, #tpu.memory_space<vmem>> -> memref<80xf32, #tpu.memory_space<vmem>>
    %dma_start3A_52 = arith.constant 640 : i32
    %dma_start3A_53 = tpu.memref_slice %arg5[%dma_start3A_52] : memref<1120xi32, #tpu.memory_space<vmem>> -> memref<80xi32, #tpu.memory_space<vmem>>
    %dma_start3A_54 = arith.constant 0 : i32
    %dma_start3A_55 = tpu.memref_slice %arg2[%dma_start3A_54] : memref<35840xf32, #tpu.memory_space<hbm>> -> memref<35840xf32, #tpu.memory_space<hbm>>
    tpu.enqueue_indirect_dma source(%dma_start3A_55 : memref<35840xf32, #tpu.memory_space<hbm>>) target(%dma_start3A_51 : memref<80xf32, #tpu.memory_space<vmem>>) offsets(%dma_start3A_53 : memref<80xi32, #tpu.memory_space<vmem>>) semaphore(%arg7 : memref<!tpu.dma_semaphore, #tpu.memory_space<semaphore_mem>>)
    %dma_start3A_56 = arith.constant 720 : i32
    %dma_start3A_57 = tpu.memref_slice %arg6[%dma_start3A_56] : memref<1120xf32, #tpu.memory_space<vmem>> -> memref<80xf32, #tpu.memory_space<vmem>>
    %dma_start3A_58 = arith.constant 720 : i32
    %dma_start3A_59 = tpu.memref_slice %arg5[%dma_start3A_58] : memref<1120xi32, #tpu.memory_space<vmem>> -> memref<80xi32, #tpu.memory_space<vmem>>
    %dma_start3A_60 = arith.constant 0 : i32
    %dma_start3A_61 = tpu.memref_slice %arg2[%dma_start3A_60] : memref<35840xf32, #tpu.memory_space<hbm>> -> memref<35840xf32, #tpu.memory_space<hbm>>
    tpu.enqueue_indirect_dma source(%dma_start3A_61 : memref<35840xf32, #tpu.memory_space<hbm>>) target(%dma_start3A_57 : memref<80xf32, #tpu.memory_space<vmem>>) offsets(%dma_start3A_59 : memref<80xi32, #tpu.memory_space<vmem>>) semaphore(%arg7 : memref<!tpu.dma_semaphore, #tpu.memory_space<semaphore_mem>>)
    %dma_start3A_62 = arith.constant 800 : i32
    %dma_start3A_63 = tpu.memref_slice %arg6[%dma_start3A_62] : memref<1120xf32, #tpu.memory_space<vmem>> -> memref<80xf32, #tpu.memory_space<vmem>>
    %dma_start3A_64 = arith.constant 800 : i32
    %dma_start3A_65 = tpu.memref_slice %arg5[%dma_start3A_64] : memref<1120xi32, #tpu.memory_space<vmem>> -> memref<80xi32, #tpu.memory_space<vmem>>
    %dma_start3A_66 = arith.constant 0 : i32
    %dma_start3A_67 = tpu.memref_slice %arg2[%dma_start3A_66] : memref<35840xf32, #tpu.memory_space<hbm>> -> memref<35840xf32, #tpu.memory_space<hbm>>
    tpu.enqueue_indirect_dma source(%dma_start3A_67 : memref<35840xf32, #tpu.memory_space<hbm>>) target(%dma_start3A_63 : memref<80xf32, #tpu.memory_space<vmem>>) offsets(%dma_start3A_65 : memref<80xi32, #tpu.memory_space<vmem>>) semaphore(%arg7 : memref<!tpu.dma_semaphore, #tpu.memory_space<semaphore_mem>>)
    %dma_start3A_68 = arith.constant 880 : i32
    %dma_start3A_69 = tpu.memref_slice %arg6[%dma_start3A_68] : memref<1120xf32, #tpu.memory_space<vmem>> -> memref<80xf32, #tpu.memory_space<vmem>>
    %dma_start3A_70 = arith.constant 880 : i32
    %dma_start3A_71 = tpu.memref_slice %arg5[%dma_start3A_70] : memref<1120xi32, #tpu.memory_space<vmem>> -> memref<80xi32, #tpu.memory_space<vmem>>
    %dma_start3A_72 = arith.constant 0 : i32
    %dma_start3A_73 = tpu.memref_slice %arg2[%dma_start3A_72] : memref<35840xf32, #tpu.memory_space<hbm>> -> memref<35840xf32, #tpu.memory_space<hbm>>
    tpu.enqueue_indirect_dma source(%dma_start3A_73 : memref<35840xf32, #tpu.memory_space<hbm>>) target(%dma_start3A_69 : memref<80xf32, #tpu.memory_space<vmem>>) offsets(%dma_start3A_71 : memref<80xi32, #tpu.memory_space<vmem>>) semaphore(%arg7 : memref<!tpu.dma_semaphore, #tpu.memory_space<semaphore_mem>>)
    %dma_start3A_74 = arith.constant 960 : i32
    %dma_start3A_75 = tpu.memref_slice %arg6[%dma_start3A_74] : memref<1120xf32, #tpu.memory_space<vmem>> -> memref<80xf32, #tpu.memory_space<vmem>>
    %dma_start3A_76 = arith.constant 960 : i32
    %dma_start3A_77 = tpu.memref_slice %arg5[%dma_start3A_76] : memref<1120xi32, #tpu.memory_space<vmem>> -> memref<80xi32, #tpu.memory_space<vmem>>
    %dma_start3A_78 = arith.constant 0 : i32
    %dma_start3A_79 = tpu.memref_slice %arg2[%dma_start3A_78] : memref<35840xf32, #tpu.memory_space<hbm>> -> memref<35840xf32, #tpu.memory_space<hbm>>
    tpu.enqueue_indirect_dma source(%dma_start3A_79 : memref<35840xf32, #tpu.memory_space<hbm>>) target(%dma_start3A_75 : memref<80xf32, #tpu.memory_space<vmem>>) offsets(%dma_start3A_77 : memref<80xi32, #tpu.memory_space<vmem>>) semaphore(%arg7 : memref<!tpu.dma_semaphore, #tpu.memory_space<semaphore_mem>>)
    %dma_start3A_80 = arith.constant 1040 : i32
    %dma_start3A_81 = tpu.memref_slice %arg6[%dma_start3A_80] : memref<1120xf32, #tpu.memory_space<vmem>> -> memref<80xf32, #tpu.memory_space<vmem>>
    %dma_start3A_82 = arith.constant 1040 : i32
    %dma_start3A_83 = tpu.memref_slice %arg5[%dma_start3A_82] : memref<1120xi32, #tpu.memory_space<vmem>> -> memref<80xi32, #tpu.memory_space<vmem>>
    %dma_start3A_84 = arith.constant 0 : i32
    %dma_start3A_85 = tpu.memref_slice %arg2[%dma_start3A_84] : memref<35840xf32, #tpu.memory_space<hbm>> -> memref<35840xf32, #tpu.memory_space<hbm>>
    tpu.enqueue_indirect_dma source(%dma_start3A_85 : memref<35840xf32, #tpu.memory_space<hbm>>) target(%dma_start3A_81 : memref<80xf32, #tpu.memory_space<vmem>>) offsets(%dma_start3A_83 : memref<80xi32, #tpu.memory_space<vmem>>) semaphore(%arg7 : memref<!tpu.dma_semaphore, #tpu.memory_space<semaphore_mem>>)
    %dma_wait3A = arith.constant 0 : i32
    %dma_wait3A_86 = tpu.memref_slice %arg6[%dma_wait3A] : memref<1120xf32, #tpu.memory_space<vmem>> -> memref<80xf32, #tpu.memory_space<vmem>>
    %dma_wait3A_87 = arith.constant 0 : i32
    %dma_wait3A_88 = tpu.memref_slice %arg5[%dma_wait3A_87] : memref<1120xi32, #tpu.memory_space<vmem>> -> memref<80xi32, #tpu.memory_space<vmem>>
    %dma_wait3A_89 = arith.constant 0 : i32
    %dma_wait3A_90 = tpu.memref_slice %arg2[%dma_wait3A_89] : memref<35840xf32, #tpu.memory_space<hbm>> -> memref<35840xf32, #tpu.memory_space<hbm>>
    tpu.wait_indirect_dma semaphore(%arg7 : memref<!tpu.dma_semaphore, #tpu.memory_space<semaphore_mem>>) src(%dma_wait3A_90 : memref<35840xf32, #tpu.memory_space<hbm>>) dst(%dma_wait3A_86 : memref<80xf32, #tpu.memory_space<vmem>>)
    %dma_wait3A_91 = arith.constant 80 : i32
    %dma_wait3A_92 = tpu.memref_slice %arg6[%dma_wait3A_91] : memref<1120xf32, #tpu.memory_space<vmem>> -> memref<80xf32, #tpu.memory_space<vmem>>
    %dma_wait3A_93 = arith.constant 80 : i32
    %dma_wait3A_94 = tpu.memref_slice %arg5[%dma_wait3A_93] : memref<1120xi32, #tpu.memory_space<vmem>> -> memref<80xi32, #tpu.memory_space<vmem>>
    %dma_wait3A_95 = arith.constant 0 : i32
    %dma_wait3A_96 = tpu.memref_slice %arg2[%dma_wait3A_95] : memref<35840xf32, #tpu.memory_space<hbm>> -> memref<35840xf32, #tpu.memory_space<hbm>>
    tpu.wait_indirect_dma semaphore(%arg7 : memref<!tpu.dma_semaphore, #tpu.memory_space<semaphore_mem>>) src(%dma_wait3A_96 : memref<35840xf32, #tpu.memory_space<hbm>>) dst(%dma_wait3A_92 : memref<80xf32, #tpu.memory_space<vmem>>)
    %dma_wait3A_97 = arith.constant 160 : i32
    %dma_wait3A_98 = tpu.memref_slice %arg6[%dma_wait3A_97] : memref<1120xf32, #tpu.memory_space<vmem>> -> memref<80xf32, #tpu.memory_space<vmem>>
    %dma_wait3A_99 = arith.constant 160 : i32
    %dma_wait3A_100 = tpu.memref_slice %arg5[%dma_wait3A_99] : memref<1120xi32, #tpu.memory_space<vmem>> -> memref<80xi32, #tpu.memory_space<vmem>>
    %dma_wait3A_101 = arith.constant 0 : i32
    %dma_wait3A_102 = tpu.memref_slice %arg2[%dma_wait3A_101] : memref<35840xf32, #tpu.memory_space<hbm>> -> memref<35840xf32, #tpu.memory_space<hbm>>
    tpu.wait_indirect_dma semaphore(%arg7 : memref<!tpu.dma_semaphore, #tpu.memory_space<semaphore_mem>>) src(%dma_wait3A_102 : memref<35840xf32, #tpu.memory_space<hbm>>) dst(%dma_wait3A_98 : memref<80xf32, #tpu.memory_space<vmem>>)
    %dma_wait3A_103 = arith.constant 240 : i32
    %dma_wait3A_104 = tpu.memref_slice %arg6[%dma_wait3A_103] : memref<1120xf32, #tpu.memory_space<vmem>> -> memref<80xf32, #tpu.memory_space<vmem>>
    %dma_wait3A_105 = arith.constant 240 : i32
    %dma_wait3A_106 = tpu.memref_slice %arg5[%dma_wait3A_105] : memref<1120xi32, #tpu.memory_space<vmem>> -> memref<80xi32, #tpu.memory_space<vmem>>
    %dma_wait3A_107 = arith.constant 0 : i32
    %dma_wait3A_108 = tpu.memref_slice %arg2[%dma_wait3A_107] : memref<35840xf32, #tpu.memory_space<hbm>> -> memref<35840xf32, #tpu.memory_space<hbm>>
    tpu.wait_indirect_dma semaphore(%arg7 : memref<!tpu.dma_semaphore, #tpu.memory_space<semaphore_mem>>) src(%dma_wait3A_108 : memref<35840xf32, #tpu.memory_space<hbm>>) dst(%dma_wait3A_104 : memref<80xf32, #tpu.memory_space<vmem>>)
    %dma_wait3A_109 = arith.constant 320 : i32
    %dma_wait3A_110 = tpu.memref_slice %arg6[%dma_wait3A_109] : memref<1120xf32, #tpu.memory_space<vmem>> -> memref<80xf32, #tpu.memory_space<vmem>>
    %dma_wait3A_111 = arith.constant 320 : i32
    %dma_wait3A_112 = tpu.memref_slice %arg5[%dma_wait3A_111] : memref<1120xi32, #tpu.memory_space<vmem>> -> memref<80xi32, #tpu.memory_space<vmem>>
    %dma_wait3A_113 = arith.constant 0 : i32
    %dma_wait3A_114 = tpu.memref_slice %arg2[%dma_wait3A_113] : memref<35840xf32, #tpu.memory_space<hbm>> -> memref<35840xf32, #tpu.memory_space<hbm>>
    tpu.wait_indirect_dma semaphore(%arg7 : memref<!tpu.dma_semaphore, #tpu.memory_space<semaphore_mem>>) src(%dma_wait3A_114 : memref<35840xf32, #tpu.memory_space<hbm>>) dst(%dma_wait3A_110 : memref<80xf32, #tpu.memory_space<vmem>>)
    %dma_wait3A_115 = arith.constant 400 : i32
    %dma_wait3A_116 = tpu.memref_slice %arg6[%dma_wait3A_115] : memref<1120xf32, #tpu.memory_space<vmem>> -> memref<80xf32, #tpu.memory_space<vmem>>
    %dma_wait3A_117 = arith.constant 400 : i32
    %dma_wait3A_118 = tpu.memref_slice %arg5[%dma_wait3A_117] : memref<1120xi32, #tpu.memory_space<vmem>> -> memref<80xi32, #tpu.memory_space<vmem>>
    %dma_wait3A_119 = arith.constant 0 : i32
    %dma_wait3A_120 = tpu.memref_slice %arg2[%dma_wait3A_119] : memref<35840xf32, #tpu.memory_space<hbm>> -> memref<35840xf32, #tpu.memory_space<hbm>>
    tpu.wait_indirect_dma semaphore(%arg7 : memref<!tpu.dma_semaphore, #tpu.memory_space<semaphore_mem>>) src(%dma_wait3A_120 : memref<35840xf32, #tpu.memory_space<hbm>>) dst(%dma_wait3A_116 : memref<80xf32, #tpu.memory_space<vmem>>)
    %dma_wait3A_121 = arith.constant 480 : i32
    %dma_wait3A_122 = tpu.memref_slice %arg6[%dma_wait3A_121] : memref<1120xf32, #tpu.memory_space<vmem>> -> memref<80xf32, #tpu.memory_space<vmem>>
    %dma_wait3A_123 = arith.constant 480 : i32
    %dma_wait3A_124 = tpu.memref_slice %arg5[%dma_wait3A_123] : memref<1120xi32, #tpu.memory_space<vmem>> -> memref<80xi32, #tpu.memory_space<vmem>>
    %dma_wait3A_125 = arith.constant 0 : i32
    %dma_wait3A_126 = tpu.memref_slice %arg2[%dma_wait3A_125] : memref<35840xf32, #tpu.memory_space<hbm>> -> memref<35840xf32, #tpu.memory_space<hbm>>
    tpu.wait_indirect_dma semaphore(%arg7 : memref<!tpu.dma_semaphore, #tpu.memory_space<semaphore_mem>>) src(%dma_wait3A_126 : memref<35840xf32, #tpu.memory_space<hbm>>) dst(%dma_wait3A_122 : memref<80xf32, #tpu.memory_space<vmem>>)
    %dma_wait3A_127 = arith.constant 560 : i32
    %dma_wait3A_128 = tpu.memref_slice %arg6[%dma_wait3A_127] : memref<1120xf32, #tpu.memory_space<vmem>> -> memref<80xf32, #tpu.memory_space<vmem>>
    %dma_wait3A_129 = arith.constant 560 : i32
    %dma_wait3A_130 = tpu.memref_slice %arg5[%dma_wait3A_129] : memref<1120xi32, #tpu.memory_space<vmem>> -> memref<80xi32, #tpu.memory_space<vmem>>
    %dma_wait3A_131 = arith.constant 0 : i32
    %dma_wait3A_132 = tpu.memref_slice %arg2[%dma_wait3A_131] : memref<35840xf32, #tpu.memory_space<hbm>> -> memref<35840xf32, #tpu.memory_space<hbm>>
    tpu.wait_indirect_dma semaphore(%arg7 : memref<!tpu.dma_semaphore, #tpu.memory_space<semaphore_mem>>) src(%dma_wait3A_132 : memref<35840xf32, #tpu.memory_space<hbm>>) dst(%dma_wait3A_128 : memref<80xf32, #tpu.memory_space<vmem>>)
    %dma_wait3A_133 = arith.constant 640 : i32
    %dma_wait3A_134 = tpu.memref_slice %arg6[%dma_wait3A_133] : memref<1120xf32, #tpu.memory_space<vmem>> -> memref<80xf32, #tpu.memory_space<vmem>>
    %dma_wait3A_135 = arith.constant 640 : i32
    %dma_wait3A_136 = tpu.memref_slice %arg5[%dma_wait3A_135] : memref<1120xi32, #tpu.memory_space<vmem>> -> memref<80xi32, #tpu.memory_space<vmem>>
    %dma_wait3A_137 = arith.constant 0 : i32
    %dma_wait3A_138 = tpu.memref_slice %arg2[%dma_wait3A_137] : memref<35840xf32, #tpu.memory_space<hbm>> -> memref<35840xf32, #tpu.memory_space<hbm>>
    tpu.wait_indirect_dma semaphore(%arg7 : memref<!tpu.dma_semaphore, #tpu.memory_space<semaphore_mem>>) src(%dma_wait3A_138 : memref<35840xf32, #tpu.memory_space<hbm>>) dst(%dma_wait3A_134 : memref<80xf32, #tpu.memory_space<vmem>>)
    %dma_wait3A_139 = arith.constant 720 : i32
    %dma_wait3A_140 = tpu.memref_slice %arg6[%dma_wait3A_139] : memref<1120xf32, #tpu.memory_space<vmem>> -> memref<80xf32, #tpu.memory_space<vmem>>
    %dma_wait3A_141 = arith.constant 720 : i32
    %dma_wait3A_142 = tpu.memref_slice %arg5[%dma_wait3A_141] : memref<1120xi32, #tpu.memory_space<vmem>> -> memref<80xi32, #tpu.memory_space<vmem>>
    %dma_wait3A_143 = arith.constant 0 : i32
    %dma_wait3A_144 = tpu.memref_slice %arg2[%dma_wait3A_143] : memref<35840xf32, #tpu.memory_space<hbm>> -> memref<35840xf32, #tpu.memory_space<hbm>>
    tpu.wait_indirect_dma semaphore(%arg7 : memref<!tpu.dma_semaphore, #tpu.memory_space<semaphore_mem>>) src(%dma_wait3A_144 : memref<35840xf32, #tpu.memory_space<hbm>>) dst(%dma_wait3A_140 : memref<80xf32, #tpu.memory_space<vmem>>)
    %dma_wait3A_145 = arith.constant 800 : i32
    %dma_wait3A_146 = tpu.memref_slice %arg6[%dma_wait3A_145] : memref<1120xf32, #tpu.memory_space<vmem>> -> memref<80xf32, #tpu.memory_space<vmem>>
    %dma_wait3A_147 = arith.constant 800 : i32
    %dma_wait3A_148 = tpu.memref_slice %arg5[%dma_wait3A_147] : memref<1120xi32, #tpu.memory_space<vmem>> -> memref<80xi32, #tpu.memory_space<vmem>>
    %dma_wait3A_149 = arith.constant 0 : i32
    %dma_wait3A_150 = tpu.memref_slice %arg2[%dma_wait3A_149] : memref<35840xf32, #tpu.memory_space<hbm>> -> memref<35840xf32, #tpu.memory_space<hbm>>
    tpu.wait_indirect_dma semaphore(%arg7 : memref<!tpu.dma_semaphore, #tpu.memory_space<semaphore_mem>>) src(%dma_wait3A_150 : memref<35840xf32, #tpu.memory_space<hbm>>) dst(%dma_wait3A_146 : memref<80xf32, #tpu.memory_space<vmem>>)
    %dma_wait3A_151 = arith.constant 880 : i32
    %dma_wait3A_152 = tpu.memref_slice %arg6[%dma_wait3A_151] : memref<1120xf32, #tpu.memory_space<vmem>> -> memref<80xf32, #tpu.memory_space<vmem>>
    %dma_wait3A_153 = arith.constant 880 : i32
    %dma_wait3A_154 = tpu.memref_slice %arg5[%dma_wait3A_153] : memref<1120xi32, #tpu.memory_space<vmem>> -> memref<80xi32, #tpu.memory_space<vmem>>
    %dma_wait3A_155 = arith.constant 0 : i32
    %dma_wait3A_156 = tpu.memref_slice %arg2[%dma_wait3A_155] : memref<35840xf32, #tpu.memory_space<hbm>> -> memref<35840xf32, #tpu.memory_space<hbm>>
    tpu.wait_indirect_dma semaphore(%arg7 : memref<!tpu.dma_semaphore, #tpu.memory_space<semaphore_mem>>) src(%dma_wait3A_156 : memref<35840xf32, #tpu.memory_space<hbm>>) dst(%dma_wait3A_152 : memref<80xf32, #tpu.memory_space<vmem>>)
    %dma_wait3A_157 = arith.constant 960 : i32
    %dma_wait3A_158 = tpu.memref_slice %arg6[%dma_wait3A_157] : memref<1120xf32, #tpu.memory_space<vmem>> -> memref<80xf32, #tpu.memory_space<vmem>>
    %dma_wait3A_159 = arith.constant 960 : i32
    %dma_wait3A_160 = tpu.memref_slice %arg5[%dma_wait3A_159] : memref<1120xi32, #tpu.memory_space<vmem>> -> memref<80xi32, #tpu.memory_space<vmem>>
    %dma_wait3A_161 = arith.constant 0 : i32
    %dma_wait3A_162 = tpu.memref_slice %arg2[%dma_wait3A_161] : memref<35840xf32, #tpu.memory_space<hbm>> -> memref<35840xf32, #tpu.memory_space<hbm>>
    tpu.wait_indirect_dma semaphore(%arg7 : memref<!tpu.dma_semaphore, #tpu.memory_space<semaphore_mem>>) src(%dma_wait3A_162 : memref<35840xf32, #tpu.memory_space<hbm>>) dst(%dma_wait3A_158 : memref<80xf32, #tpu.memory_space<vmem>>)
    %dma_wait3A_163 = arith.constant 1040 : i32
    %dma_wait3A_164 = tpu.memref_slice %arg6[%dma_wait3A_163] : memref<1120xf32, #tpu.memory_space<vmem>> -> memref<80xf32, #tpu.memory_space<vmem>>
    %dma_wait3A_165 = arith.constant 1040 : i32
    %dma_wait3A_166 = tpu.memref_slice %arg5[%dma_wait3A_165] : memref<1120xi32, #tpu.memory_space<vmem>> -> memref<80xi32, #tpu.memory_space<vmem>>
    %dma_wait3A_167 = arith.constant 0 : i32
    %dma_wait3A_168 = tpu.memref_slice %arg2[%dma_wait3A_167] : memref<35840xf32, #tpu.memory_space<hbm>> -> memref<35840xf32, #tpu.memory_space<hbm>>
    tpu.wait_indirect_dma semaphore(%arg7 : memref<!tpu.dma_semaphore, #tpu.memory_space<semaphore_mem>>) src(%dma_wait3A_168 : memref<35840xf32, #tpu.memory_space<hbm>>) dst(%dma_wait3A_164 : memref<80xf32, #tpu.memory_space<vmem>>)
    "tpu.region"() ({
      %run_scoped3A = tpu.sem_alloc : memref<!tpu.dma_semaphore, #tpu.memory_space<semaphore_mem>>
      %dma_start3A_169 = tpu.memref_slice %arg4[%mul3A_2] : memref<35840xf32, #tpu.memory_space<hbm>> -> memref<1120xf32, #tpu.memory_space<hbm>>
      %dma_start3A_170 = tpu.memref_slice %arg4[%mul3A_2] : memref<35840xf32, #tpu.memory_space<hbm>> -> memref<1120xf32, #tpu.memory_space<hbm>>
      tpu.enqueue_dma source(%arg6 : memref<1120xf32, #tpu.memory_space<vmem>>) target(%dma_start3A_170 : memref<1120xf32, #tpu.memory_space<hbm>>) target_semaphore(%run_scoped3A : memref<!tpu.dma_semaphore, #tpu.memory_space<semaphore_mem>>)
      %dma_wait3A_171 = tpu.memref_slice %arg4[%mul3A_2] : memref<35840xf32, #tpu.memory_space<hbm>> -> memref<1120xf32, #tpu.memory_space<hbm>>
      %dma_wait3A_172 = tpu.memref_slice %arg4[%mul3A_2] : memref<35840xf32, #tpu.memory_space<hbm>> -> memref<1120xf32, #tpu.memory_space<hbm>>
      tpu.wait_dma2 semaphore(%run_scoped3A : memref<!tpu.dma_semaphore, #tpu.memory_space<semaphore_mem>>) src(%arg6 : memref<1120xf32, #tpu.memory_space<vmem>>) dst(%dma_wait3A_172 : memref<1120xf32, #tpu.memory_space<hbm>>)
      tpu.yield
    }) : () -> ()
    return
  }
}

module attributes {stable_mosaic.version = 14 : i64} {
  func.func @_nms_body(%arg0: memref<7x10x512xf32, #tpu.memory_space<vmem>>, %arg1: memref<7x10x512xf32, #tpu.memory_space<vmem>>, %arg2: memref<10x512xf32, #tpu.memory_space<vmem>>, %arg3: memref<10x512xf32, #tpu.memory_space<vmem>>, %arg4: memref<10x512xf32, #tpu.memory_space<vmem>>, %arg5: memref<10x512xf32, #tpu.memory_space<vmem>>, %arg6: memref<10x512xf32, #tpu.memory_space<vmem>>, %arg7: memref<10x512xf32, #tpu.memory_space<vmem>>, %arg8: memref<10x512xf32, #tpu.memory_space<vmem>>) attributes {dimension_semantics = [], scalar_prefetch = 0 : i64, scratch_operands = 7 : i64, tpu.core_type = #tpu.core_type<tc>} {
    %get3A = arith.constant 0 : index
    %get3A_0 = arith.constant 0 : index
    %get3A_1 = arith.constant 0 : index
    %get3A_2 = vector.load %arg0[%get3A, %get3A_0, %get3A_1] : memref<7x10x512xf32, #tpu.memory_space<vmem>>, vector<1x10x512xf32>
    %get3A_3 = vector.shape_cast %get3A_2 : vector<1x10x512xf32> to vector<10x512xf32>
    %get3A_4 = arith.constant 1 : index
    %get3A_5 = arith.constant 0 : index
    %get3A_6 = arith.constant 0 : index
    %get3A_7 = vector.load %arg0[%get3A_4, %get3A_5, %get3A_6] : memref<7x10x512xf32, #tpu.memory_space<vmem>>, vector<1x10x512xf32>
    %get3A_8 = vector.shape_cast %get3A_7 : vector<1x10x512xf32> to vector<10x512xf32>
    %get3A_9 = arith.constant 2 : index
    %get3A_10 = arith.constant 0 : index
    %get3A_11 = arith.constant 0 : index
    %get3A_12 = vector.load %arg0[%get3A_9, %get3A_10, %get3A_11] : memref<7x10x512xf32, #tpu.memory_space<vmem>>, vector<1x10x512xf32>
    %get3A_13 = vector.shape_cast %get3A_12 : vector<1x10x512xf32> to vector<10x512xf32>
    %get3A_14 = arith.constant 3 : index
    %get3A_15 = arith.constant 0 : index
    %get3A_16 = arith.constant 0 : index
    %get3A_17 = vector.load %arg0[%get3A_14, %get3A_15, %get3A_16] : memref<7x10x512xf32, #tpu.memory_space<vmem>>, vector<1x10x512xf32>
    %get3A_18 = vector.shape_cast %get3A_17 : vector<1x10x512xf32> to vector<10x512xf32>
    %get3A_19 = arith.constant 4 : index
    %get3A_20 = arith.constant 0 : index
    %get3A_21 = arith.constant 0 : index
    %get3A_22 = vector.load %arg0[%get3A_19, %get3A_20, %get3A_21] : memref<7x10x512xf32, #tpu.memory_space<vmem>>, vector<1x10x512xf32>
    %get3A_23 = vector.shape_cast %get3A_22 : vector<1x10x512xf32> to vector<10x512xf32>
    %get3A_24 = arith.constant 5 : index
    %get3A_25 = arith.constant 0 : index
    %get3A_26 = arith.constant 0 : index
    %get3A_27 = vector.load %arg0[%get3A_24, %get3A_25, %get3A_26] : memref<7x10x512xf32, #tpu.memory_space<vmem>>, vector<1x10x512xf32>
    %get3A_28 = vector.shape_cast %get3A_27 : vector<1x10x512xf32> to vector<10x512xf32>
    %mul3A = arith.mulf %get3A_23, %get3A_28 : vector<10x512xf32>
    %get3A_29 = arith.constant 6 : index
    %get3A_30 = arith.constant 0 : index
    %get3A_31 = arith.constant 0 : index
    %get3A_32 = vector.load %arg0[%get3A_29, %get3A_30, %get3A_31] : memref<7x10x512xf32, #tpu.memory_space<vmem>>, vector<1x10x512xf32>
    %get3A_33 = vector.shape_cast %get3A_32 : vector<1x10x512xf32> to vector<10x512xf32>
    %ge3A = arith.constant 1.000000e-01 : f32
    %ge3A_34 = vector.broadcast %ge3A : f32 to vector<10x512xf32>
    %ge3A_35 = arith.cmpf oge, %mul3A, %ge3A_34 : vector<10x512xf32>
    %max3A = arith.maximumf %get3A_13, %get3A_18 : vector<10x512xf32>
    %jit3A = arith.constant 0.000000e+00 : f32
    %broadcast_in_dim3A = vector.broadcast %jit3A : f32 to vector<10x512xf32>
    %select_n3A = arith.select %ge3A_35, %max3A, %broadcast_in_dim3A : vector<10x512xi1>, vector<10x512xf32>
    %reduce_max3A = vector.shape_cast %select_n3A : vector<10x512xf32> to vector<1x10x512xf32>
    %reduce_max3A_36 = arith.constant dense<0xFF800000> : vector<1xf32>
    %reduce_max3A_37 = vector.multi_reduction <maximumf>, %reduce_max3A, %reduce_max3A_36 [1, 2] : vector<1x10x512xf32> to vector<1xf32>
    %reduce_max3A_38 = vector.shape_cast %reduce_max3A_37 : vector<1xf32> to vector<1x1x1xf32>
    %reduce_max3A_39 = vector.extract %reduce_max3A_38[0, 0, 0] : f32 from vector<1x1x1xf32>
    %add3A = arith.constant 1.000000e+00 : f32
    %add3A_40 = arith.addf %reduce_max3A_39, %add3A : f32
    %mul3A_41 = vector.broadcast %add3A_40 : f32 to vector<10x512xf32>
    %mul3A_42 = arith.mulf %get3A_33, %mul3A_41 : vector<10x512xf32>
    %add3A_43 = arith.addf %get3A_3, %mul3A_42 : vector<10x512xf32>
    %swap3A = arith.constant 0 : index
    %swap3A_44 = arith.constant 0 : index
    %swap3A_45 = vector.load %arg2[%swap3A, %swap3A_44] : memref<10x512xf32, #tpu.memory_space<vmem>>, vector<10x512xf32>
    tpu.vector_store %arg2[%swap3A, %swap3A_44], %add3A_43 {strides = array<i32>} : memref<10x512xf32, #tpu.memory_space<vmem>>, vector<10x512xf32>,
    %add3A_46 = arith.addf %get3A_8, %mul3A_42 : vector<10x512xf32>
    %swap3A_47 = arith.constant 0 : index
    %swap3A_48 = arith.constant 0 : index
    %swap3A_49 = vector.load %arg3[%swap3A_47, %swap3A_48] : memref<10x512xf32, #tpu.memory_space<vmem>>, vector<10x512xf32>
    tpu.vector_store %arg3[%swap3A_47, %swap3A_48], %add3A_46 {strides = array<i32>} : memref<10x512xf32, #tpu.memory_space<vmem>>, vector<10x512xf32>,
    %add3A_50 = arith.addf %get3A_13, %mul3A_42 : vector<10x512xf32>
    %swap3A_51 = arith.constant 0 : index
    %swap3A_52 = arith.constant 0 : index
    %swap3A_53 = vector.load %arg4[%swap3A_51, %swap3A_52] : memref<10x512xf32, #tpu.memory_space<vmem>>, vector<10x512xf32>
    tpu.vector_store %arg4[%swap3A_51, %swap3A_52], %add3A_50 {strides = array<i32>} : memref<10x512xf32, #tpu.memory_space<vmem>>, vector<10x512xf32>,
    %add3A_54 = arith.addf %get3A_18, %mul3A_42 : vector<10x512xf32>
    %swap3A_55 = arith.constant 0 : index
    %swap3A_56 = arith.constant 0 : index
    %swap3A_57 = vector.load %arg5[%swap3A_55, %swap3A_56] : memref<10x512xf32, #tpu.memory_space<vmem>>, vector<10x512xf32>
    tpu.vector_store %arg5[%swap3A_55, %swap3A_56], %add3A_54 {strides = array<i32>} : memref<10x512xf32, #tpu.memory_space<vmem>>, vector<10x512xf32>,
    %sub3A = arith.subf %get3A_13, %get3A_3 : vector<10x512xf32>
    %sub3A_58 = arith.subf %get3A_18, %get3A_8 : vector<10x512xf32>
    %mul3A_59 = arith.mulf %sub3A, %sub3A_58 : vector<10x512xf32>
    %swap3A_60 = arith.constant 0 : index
    %swap3A_61 = arith.constant 0 : index
    %swap3A_62 = vector.load %arg6[%swap3A_60, %swap3A_61] : memref<10x512xf32, #tpu.memory_space<vmem>>, vector<10x512xf32>
    tpu.vector_store %arg6[%swap3A_60, %swap3A_61], %mul3A_59 {strides = array<i32>} : memref<10x512xf32, #tpu.memory_space<vmem>>, vector<10x512xf32>,
    %convert_element_type3A = arith.extui %ge3A_35 : vector<10x512xi1> to vector<10x512xi32>
    %convert_element_type3A_63 = arith.sitofp %convert_element_type3A : vector<10x512xi32> to vector<10x512xf32>
    %swap3A_64 = arith.constant 0 : index
    %swap3A_65 = arith.constant 0 : index
    %swap3A_66 = vector.load %arg7[%swap3A_64, %swap3A_65] : memref<10x512xf32, #tpu.memory_space<vmem>>, vector<10x512xf32>
    tpu.vector_store %arg7[%swap3A_64, %swap3A_65], %convert_element_type3A_63 {strides = array<i32>} : memref<10x512xf32, #tpu.memory_space<vmem>>, vector<10x512xf32>,
    %broadcast_in_dim3A_67 = arith.constant 0.000000e+00 : f32
    %broadcast_in_dim3A_68 = vector.broadcast %broadcast_in_dim3A_67 : f32 to vector<10x512xf32>
    %swap3A_69 = arith.constant 0 : index
    %swap3A_70 = arith.constant 0 : index
    %swap3A_71 = vector.load %arg8[%swap3A_69, %swap3A_70] : memref<10x512xf32, #tpu.memory_space<vmem>>, vector<10x512xf32>
    tpu.vector_store %arg8[%swap3A_69, %swap3A_70], %broadcast_in_dim3A_68 {strides = array<i32>} : memref<10x512xf32, #tpu.memory_space<vmem>>, vector<10x512xf32>,
    %iota3A = tpu.iota {dimensions = array<i32: 0>} : vector<512x512xi32>
    %iota3A_72 = tpu.iota {dimensions = array<i32: 1>} : vector<512x512xi32>
    %lt3A = arith.cmpi slt, %iota3A, %iota3A_72 : vector<512x512xi32>
    %convert_element_type3A_73 = arith.extui %lt3A : vector<512x512xi1> to vector<512x512xi32>
    %convert_element_type3A_74 = arith.sitofp %convert_element_type3A_73 : vector<512x512xi32> to vector<512x512xf32>
    %scan3A = arith.constant 0 : i32
    %scan3A_75 = arith.constant 10 : i32
    %scan3A_76 = arith.addi %scan3A, %scan3A_75 : i32
    %scan3A_77 = arith.constant 1 : i32
    scf.for %scan3A_93 = %scan3A to %scan3A_76 step %scan3A_77  : i32 {
      %get3A_94 = arith.index_cast %scan3A_93 : i32 to index
      %get3A_95 = arith.constant 0 : index
      %get3A_96 = vector.load %arg7[%get3A_94, %get3A_95] : memref<10x512xf32, #tpu.memory_space<vmem>>, vector<1x512xf32>
      %gt3A = arith.constant 0.000000e+00 : f32
      %gt3A_97 = vector.broadcast %gt3A : f32 to vector<1x512xf32>
      %gt3A_98 = arith.cmpf ogt, %get3A_96, %gt3A_97 : vector<1x512xf32>
      %reduce_or3A = arith.constant 1.000000e+00 : f32
      %reduce_or3A_99 = arith.constant 0.000000e+00 : f32
      %reduce_or3A_100 = vector.broadcast %reduce_or3A : f32 to vector<1x512xf32>
      %reduce_or3A_101 = vector.broadcast %reduce_or3A_99 : f32 to vector<1x512xf32>
      %reduce_or3A_102 = arith.select %gt3A_98, %reduce_or3A_100, %reduce_or3A_101 : vector<1x512xi1>, vector<1x512xf32>
      %reduce_or3A_103 = vector.shape_cast %reduce_or3A_102 : vector<1x512xf32> to vector<1x1x512xf32>
      %reduce_or3A_104 = arith.constant dense<0xFF800000> : vector<1xf32>
      %reduce_or3A_105 = vector.multi_reduction <maximumf>, %reduce_or3A_103, %reduce_or3A_104 [1, 2] : vector<1x1x512xf32> to vector<1xf32>
      %reduce_or3A_106 = vector.shape_cast %reduce_or3A_105 : vector<1xf32> to vector<1x1x1xf32>
      %reduce_or3A_107 = vector.extract %reduce_or3A_106[0, 0, 0] : f32 from vector<1x1x1xf32>
      %reduce_or3A_108 = arith.constant 0.000000e+00 : f32
      %reduce_or3A_109 = arith.cmpf ogt, %reduce_or3A_107, %reduce_or3A_108 : f32
      %convert_element_type3A_110 = arith.extui %reduce_or3A_109 : i1 to i32
      %cond3A = arith.constant 0 : i32
      %cond3A_111 = arith.cmpi ne, %convert_element_type3A_110, %cond3A : i32
      scf.if %cond3A_111 {
        %get3A_112 = arith.index_cast %scan3A_93 : i32 to index
        %get3A_113 = arith.constant 0 : index
        %get3A_114 = vector.load %arg2[%get3A_112, %get3A_113] : memref<10x512xf32, #tpu.memory_space<vmem>>, vector<1x512xf32>
        %get3A_115 = arith.index_cast %scan3A_93 : i32 to index
        %get3A_116 = arith.constant 0 : index
        %get3A_117 = vector.load %arg3[%get3A_115, %get3A_116] : memref<10x512xf32, #tpu.memory_space<vmem>>, vector<1x512xf32>
        %get3A_118 = arith.index_cast %scan3A_93 : i32 to index
        %get3A_119 = arith.constant 0 : index
        %get3A_120 = vector.load %arg4[%get3A_118, %get3A_119] : memref<10x512xf32, #tpu.memory_space<vmem>>, vector<1x512xf32>
        %get3A_121 = arith.index_cast %scan3A_93 : i32 to index
        %get3A_122 = arith.constant 0 : index
        %get3A_123 = vector.load %arg5[%get3A_121, %get3A_122] : memref<10x512xf32, #tpu.memory_space<vmem>>, vector<1x512xf32>
        %get3A_124 = arith.index_cast %scan3A_93 : i32 to index
        %get3A_125 = arith.constant 0 : index
        %get3A_126 = vector.load %arg6[%get3A_124, %get3A_125] : memref<10x512xf32, #tpu.memory_space<vmem>>, vector<1x512xf32>
        %transpose3A = tpu.transpose %get3A_114, [1, 0] : vector<1x512xf32> -> vector<512x1xf32>
        %transpose3A_127 = tpu.transpose %get3A_117, [1, 0] : vector<1x512xf32> -> vector<512x1xf32>
        %transpose3A_128 = tpu.transpose %get3A_120, [1, 0] : vector<1x512xf32> -> vector<512x1xf32>
        %transpose3A_129 = tpu.transpose %get3A_123, [1, 0] : vector<1x512xf32> -> vector<512x1xf32>
        %transpose3A_130 = tpu.transpose %get3A_126, [1, 0] : vector<1x512xf32> -> vector<512x1xf32>
        %add3A_131 = arith.constant 2 : i32
        %add3A_132 = arith.addi %scan3A_93, %add3A_131 : i32
        %sub3A_133 = arith.constant 1 : i32
        %sub3A_134 = arith.subi %add3A_132, %sub3A_133 : i32
        %jit3A_135 = arith.constant 2 : i32
        %div3A = arith.divsi %sub3A_134, %jit3A_135 : i32
        %sign3A = arith.constant 0 : i32
        %sign3A_136 = arith.cmpi sgt, %sub3A_134, %sign3A : i32
        %sign3A_137 = arith.extui %sign3A_136 : i1 to i32
        %sign3A_138 = arith.constant 0 : i32
        %sign3A_139 = arith.cmpi slt, %sub3A_134, %sign3A_138 : i32
        %sign3A_140 = arith.extui %sign3A_139 : i1 to i32
        %sign3A_141 = arith.subi %sign3A_137, %sign3A_140 : i32
        %sign3A_142 = arith.constant 0 : i32
        %sign3A_143 = arith.cmpi sgt, %jit3A_135, %sign3A_142 : i32
        %sign3A_144 = arith.extui %sign3A_143 : i1 to i32
        %sign3A_145 = arith.constant 0 : i32
        %sign3A_146 = arith.cmpi slt, %jit3A_135, %sign3A_145 : i32
        %sign3A_147 = arith.extui %sign3A_146 : i1 to i32
        %sign3A_148 = arith.subi %sign3A_144, %sign3A_147 : i32
        %ne3A = arith.cmpi ne, %sign3A_141, %sign3A_148 : i32
        %rem3A = arith.remsi %sub3A_134, %jit3A_135 : i32
        %ne3A_149 = arith.constant 0 : i32
        %ne3A_150 = arith.cmpi ne, %rem3A, %ne3A_149 : i32
        %and3A = arith.andi %ne3A, %ne3A_150 : i1
        %sub3A_151 = arith.constant 1 : i32
        %sub3A_152 = arith.subi %div3A, %sub3A_151 : i32
        %select_n3A_153 = arith.select %and3A, %sub3A_152, %div3A : i32
        %broadcast_in_dim3A_154 = arith.constant 0.000000e+00 : f32
        %broadcast_in_dim3A_155 = vector.broadcast %broadcast_in_dim3A_154 : f32 to vector<512x512xf32>
        %while3A = arith.constant 0 : i32
        %while3A_156 = arith.subi %select_n3A_153, %while3A : i32
        %while3A_157 = arith.addi %while3A, %while3A_156 : i32
        %while3A_158 = arith.constant 1 : i32
        %while3A_159 = arith.divsi %while3A_156, %while3A_158 : i32
        %while3A_160 = arith.muli %while3A_159, %while3A_158 : i32
        %while3A_161 = arith.addi %while3A, %while3A_160 : i32
        %while3A_162 = arith.constant 1 : i32
        %while3A_163 = scf.for %while3A_221 = %while3A to %while3A_161 step %while3A_162 iter_args(%while3A_222 = %broadcast_in_dim3A_155) -> (vector<512x512xf32>)  : i32 {
          %mul3A_223 = arith.constant 2 : i32
          %mul3A_224 = arith.muli %while3A_221, %mul3A_223 : i32
          %add3A_225 = arith.constant 0 : i32
          %add3A_226 = arith.addi %mul3A_224, %add3A_225 : i32
          %get3A_227 = arith.index_cast %add3A_226 : i32 to index
          %get3A_228 = arith.constant 0 : index
          %get3A_229 = vector.load %arg2[%get3A_227, %get3A_228] : memref<10x512xf32, #tpu.memory_space<vmem>>, vector<1x512xf32>
          %get3A_230 = arith.index_cast %add3A_226 : i32 to index
          %get3A_231 = arith.constant 0 : index
          %get3A_232 = vector.load %arg3[%get3A_230, %get3A_231] : memref<10x512xf32, #tpu.memory_space<vmem>>, vector<1x512xf32>
          %get3A_233 = arith.index_cast %add3A_226 : i32 to index
          %get3A_234 = arith.constant 0 : index
          %get3A_235 = vector.load %arg4[%get3A_233, %get3A_234] : memref<10x512xf32, #tpu.memory_space<vmem>>, vector<1x512xf32>
          %get3A_236 = arith.index_cast %add3A_226 : i32 to index
          %get3A_237 = arith.constant 0 : index
          %get3A_238 = vector.load %arg5[%get3A_236, %get3A_237] : memref<10x512xf32, #tpu.memory_space<vmem>>, vector<1x512xf32>
          %get3A_239 = arith.index_cast %add3A_226 : i32 to index
          %get3A_240 = arith.constant 0 : index
          %get3A_241 = vector.load %arg6[%get3A_239, %get3A_240] : memref<10x512xf32, #tpu.memory_space<vmem>>, vector<1x512xf32>
          %get3A_242 = arith.index_cast %add3A_226 : i32 to index
          %get3A_243 = arith.constant 0 : index
          %get3A_244 = vector.load %arg8[%get3A_242, %get3A_243] : memref<10x512xf32, #tpu.memory_space<vmem>>, vector<1x512xf32>
          %min3A_245 = vector.broadcast %transpose3A_128 : vector<512x1xf32> to vector<512x512xf32>
          %min3A_246 = vector.broadcast %get3A_235 : vector<1x512xf32> to vector<512x512xf32>
          %min3A_247 = arith.minimumf %min3A_245, %min3A_246 : vector<512x512xf32>
          %max3A_248 = vector.broadcast %transpose3A : vector<512x1xf32> to vector<512x512xf32>
          %max3A_249 = vector.broadcast %get3A_229 : vector<1x512xf32> to vector<512x512xf32>
          %max3A_250 = arith.maximumf %max3A_248, %max3A_249 : vector<512x512xf32>
          %sub3A_251 = arith.subf %min3A_247, %max3A_250 : vector<512x512xf32>
          %max3A_252 = arith.constant 0.000000e+00 : f32
          %max3A_253 = vector.broadcast %max3A_252 : f32 to vector<512x512xf32>
          %max3A_254 = arith.maximumf %sub3A_251, %max3A_253 : vector<512x512xf32>
          %min3A_255 = vector.broadcast %transpose3A_129 : vector<512x1xf32> to vector<512x512xf32>
          %min3A_256 = vector.broadcast %get3A_238 : vector<1x512xf32> to vector<512x512xf32>
          %min3A_257 = arith.minimumf %min3A_255, %min3A_256 : vector<512x512xf32>
          %max3A_258 = vector.broadcast %transpose3A_127 : vector<512x1xf32> to vector<512x512xf32>
          %max3A_259 = vector.broadcast %get3A_232 : vector<1x512xf32> to vector<512x512xf32>
          %max3A_260 = arith.maximumf %max3A_258, %max3A_259 : vector<512x512xf32>
          %sub3A_261 = arith.subf %min3A_257, %max3A_260 : vector<512x512xf32>
          %max3A_262 = arith.constant 0.000000e+00 : f32
          %max3A_263 = vector.broadcast %max3A_262 : f32 to vector<512x512xf32>
          %max3A_264 = arith.maximumf %sub3A_261, %max3A_263 : vector<512x512xf32>
          %mul3A_265 = arith.mulf %max3A_254, %max3A_264 : vector<512x512xf32>
          %add3A_266 = vector.broadcast %transpose3A_130 : vector<512x1xf32> to vector<512x512xf32>
          %add3A_267 = vector.broadcast %get3A_241 : vector<1x512xf32> to vector<512x512xf32>
          %add3A_268 = arith.addf %add3A_266, %add3A_267 : vector<512x512xf32>
          %sub3A_269 = arith.subf %add3A_268, %mul3A_265 : vector<512x512xf32>
          %max3A_270 = arith.constant 9.99999971E-10 : f32
          %max3A_271 = vector.broadcast %max3A_270 : f32 to vector<512x512xf32>
          %max3A_272 = arith.maximumf %sub3A_269, %max3A_271 : vector<512x512xf32>
          %div3A_273 = arith.divf %mul3A_265, %max3A_272 : vector<512x512xf32>
          %gt3A_274 = arith.constant 4.500000e-01 : f32
          %gt3A_275 = vector.broadcast %gt3A_274 : f32 to vector<512x512xf32>
          %gt3A_276 = arith.cmpf ogt, %div3A_273, %gt3A_275 : vector<512x512xf32>
          %jit3A_277 = arith.constant 0.000000e+00 : f32
          %broadcast_in_dim3A_278 = vector.shape_cast %get3A_244 : vector<1x512xf32> to vector<1x512xf32>
          %broadcast_in_dim3A_279 = vector.broadcast %broadcast_in_dim3A_278 : vector<1x512xf32> to vector<512x512xf32>
          %broadcast_in_dim3A_280 = vector.broadcast %jit3A_277 : f32 to vector<512x512xf32>
          %select_n3A_281 = arith.select %gt3A_276, %broadcast_in_dim3A_279, %broadcast_in_dim3A_280 : vector<512x512xi1>, vector<512x512xf32>
          %max3A_282 = arith.maximumf %while3A_222, %select_n3A_281 : vector<512x512xf32>
          %add3A_283 = arith.constant 1 : i32
          %add3A_284 = arith.addi %mul3A_224, %add3A_283 : i32
          %get3A_285 = arith.index_cast %add3A_284 : i32 to index
          %get3A_286 = arith.constant 0 : index
          %get3A_287 = vector.load %arg2[%get3A_285, %get3A_286] : memref<10x512xf32, #tpu.memory_space<vmem>>, vector<1x512xf32>
          %get3A_288 = arith.index_cast %add3A_284 : i32 to index
          %get3A_289 = arith.constant 0 : index
          %get3A_290 = vector.load %arg3[%get3A_288, %get3A_289] : memref<10x512xf32, #tpu.memory_space<vmem>>, vector<1x512xf32>
          %get3A_291 = arith.index_cast %add3A_284 : i32 to index
          %get3A_292 = arith.constant 0 : index
          %get3A_293 = vector.load %arg4[%get3A_291, %get3A_292] : memref<10x512xf32, #tpu.memory_space<vmem>>, vector<1x512xf32>
          %get3A_294 = arith.index_cast %add3A_284 : i32 to index
          %get3A_295 = arith.constant 0 : index
          %get3A_296 = vector.load %arg5[%get3A_294, %get3A_295] : memref<10x512xf32, #tpu.memory_space<vmem>>, vector<1x512xf32>
          %get3A_297 = arith.index_cast %add3A_284 : i32 to index
          %get3A_298 = arith.constant 0 : index
          %get3A_299 = vector.load %arg6[%get3A_297, %get3A_298] : memref<10x512xf32, #tpu.memory_space<vmem>>, vector<1x512xf32>
          %get3A_300 = arith.index_cast %add3A_284 : i32 to index
          %get3A_301 = arith.constant 0 : index
          %get3A_302 = vector.load %arg8[%get3A_300, %get3A_301] : memref<10x512xf32, #tpu.memory_space<vmem>>, vector<1x512xf32>
          %min3A_303 = vector.broadcast %transpose3A_128 : vector<512x1xf32> to vector<512x512xf32>
          %min3A_304 = vector.broadcast %get3A_293 : vector<1x512xf32> to vector<512x512xf32>
          %min3A_305 = arith.minimumf %min3A_303, %min3A_304 : vector<512x512xf32>
          %max3A_306 = vector.broadcast %transpose3A : vector<512x1xf32> to vector<512x512xf32>
          %max3A_307 = vector.broadcast %get3A_287 : vector<1x512xf32> to vector<512x512xf32>
          %max3A_308 = arith.maximumf %max3A_306, %max3A_307 : vector<512x512xf32>
          %sub3A_309 = arith.subf %min3A_305, %max3A_308 : vector<512x512xf32>
          %max3A_310 = arith.constant 0.000000e+00 : f32
          %max3A_311 = vector.broadcast %max3A_310 : f32 to vector<512x512xf32>
          %max3A_312 = arith.maximumf %sub3A_309, %max3A_311 : vector<512x512xf32>
          %min3A_313 = vector.broadcast %transpose3A_129 : vector<512x1xf32> to vector<512x512xf32>
          %min3A_314 = vector.broadcast %get3A_296 : vector<1x512xf32> to vector<512x512xf32>
          %min3A_315 = arith.minimumf %min3A_313, %min3A_314 : vector<512x512xf32>
          %max3A_316 = vector.broadcast %transpose3A_127 : vector<512x1xf32> to vector<512x512xf32>
          %max3A_317 = vector.broadcast %get3A_290 : vector<1x512xf32> to vector<512x512xf32>
          %max3A_318 = arith.maximumf %max3A_316, %max3A_317 : vector<512x512xf32>
          %sub3A_319 = arith.subf %min3A_315, %max3A_318 : vector<512x512xf32>
          %max3A_320 = arith.constant 0.000000e+00 : f32
          %max3A_321 = vector.broadcast %max3A_320 : f32 to vector<512x512xf32>
          %max3A_322 = arith.maximumf %sub3A_319, %max3A_321 : vector<512x512xf32>
          %mul3A_323 = arith.mulf %max3A_312, %max3A_322 : vector<512x512xf32>
          %add3A_324 = vector.broadcast %transpose3A_130 : vector<512x1xf32> to vector<512x512xf32>
          %add3A_325 = vector.broadcast %get3A_299 : vector<1x512xf32> to vector<512x512xf32>
          %add3A_326 = arith.addf %add3A_324, %add3A_325 : vector<512x512xf32>
          %sub3A_327 = arith.subf %add3A_326, %mul3A_323 : vector<512x512xf32>
          %max3A_328 = arith.constant 9.99999971E-10 : f32
          %max3A_329 = vector.broadcast %max3A_328 : f32 to vector<512x512xf32>
          %max3A_330 = arith.maximumf %sub3A_327, %max3A_329 : vector<512x512xf32>
          %div3A_331 = arith.divf %mul3A_323, %max3A_330 : vector<512x512xf32>
          %gt3A_332 = arith.constant 4.500000e-01 : f32
          %gt3A_333 = vector.broadcast %gt3A_332 : f32 to vector<512x512xf32>
          %gt3A_334 = arith.cmpf ogt, %div3A_331, %gt3A_333 : vector<512x512xf32>
          %jit3A_335 = arith.constant 0.000000e+00 : f32
          %broadcast_in_dim3A_336 = vector.shape_cast %get3A_302 : vector<1x512xf32> to vector<1x512xf32>
          %broadcast_in_dim3A_337 = vector.broadcast %broadcast_in_dim3A_336 : vector<1x512xf32> to vector<512x512xf32>
          %broadcast_in_dim3A_338 = vector.broadcast %jit3A_335 : f32 to vector<512x512xf32>
          %select_n3A_339 = arith.select %gt3A_334, %broadcast_in_dim3A_337, %broadcast_in_dim3A_338 : vector<512x512xi1>, vector<512x512xf32>
          %max3A_340 = arith.maximumf %max3A_282, %select_n3A_339 : vector<512x512xf32>
          scf.yield %max3A_340 : vector<512x512xf32>
        }
        %while3A_164 = arith.constant 1 : i32
        %while3A_165 = scf.for %while3A_221 = %while3A_161 to %while3A_157 step %while3A_164 iter_args(%while3A_222 = %while3A_163) -> (vector<512x512xf32>)  : i32 {
          %mul3A_223 = arith.constant 2 : i32
          %mul3A_224 = arith.muli %while3A_221, %mul3A_223 : i32
          %add3A_225 = arith.constant 0 : i32
          %add3A_226 = arith.addi %mul3A_224, %add3A_225 : i32
          %get3A_227 = arith.index_cast %add3A_226 : i32 to index
          %get3A_228 = arith.constant 0 : index
          %get3A_229 = vector.load %arg2[%get3A_227, %get3A_228] : memref<10x512xf32, #tpu.memory_space<vmem>>, vector<1x512xf32>
          %get3A_230 = arith.index_cast %add3A_226 : i32 to index
          %get3A_231 = arith.constant 0 : index
          %get3A_232 = vector.load %arg3[%get3A_230, %get3A_231] : memref<10x512xf32, #tpu.memory_space<vmem>>, vector<1x512xf32>
          %get3A_233 = arith.index_cast %add3A_226 : i32 to index
          %get3A_234 = arith.constant 0 : index
          %get3A_235 = vector.load %arg4[%get3A_233, %get3A_234] : memref<10x512xf32, #tpu.memory_space<vmem>>, vector<1x512xf32>
          %get3A_236 = arith.index_cast %add3A_226 : i32 to index
          %get3A_237 = arith.constant 0 : index
          %get3A_238 = vector.load %arg5[%get3A_236, %get3A_237] : memref<10x512xf32, #tpu.memory_space<vmem>>, vector<1x512xf32>
          %get3A_239 = arith.index_cast %add3A_226 : i32 to index
          %get3A_240 = arith.constant 0 : index
          %get3A_241 = vector.load %arg6[%get3A_239, %get3A_240] : memref<10x512xf32, #tpu.memory_space<vmem>>, vector<1x512xf32>
          %get3A_242 = arith.index_cast %add3A_226 : i32 to index
          %get3A_243 = arith.constant 0 : index
          %get3A_244 = vector.load %arg8[%get3A_242, %get3A_243] : memref<10x512xf32, #tpu.memory_space<vmem>>, vector<1x512xf32>
          %min3A_245 = vector.broadcast %transpose3A_128 : vector<512x1xf32> to vector<512x512xf32>
          %min3A_246 = vector.broadcast %get3A_235 : vector<1x512xf32> to vector<512x512xf32>
          %min3A_247 = arith.minimumf %min3A_245, %min3A_246 : vector<512x512xf32>
          %max3A_248 = vector.broadcast %transpose3A : vector<512x1xf32> to vector<512x512xf32>
          %max3A_249 = vector.broadcast %get3A_229 : vector<1x512xf32> to vector<512x512xf32>
          %max3A_250 = arith.maximumf %max3A_248, %max3A_249 : vector<512x512xf32>
          %sub3A_251 = arith.subf %min3A_247, %max3A_250 : vector<512x512xf32>
          %max3A_252 = arith.constant 0.000000e+00 : f32
          %max3A_253 = vector.broadcast %max3A_252 : f32 to vector<512x512xf32>
          %max3A_254 = arith.maximumf %sub3A_251, %max3A_253 : vector<512x512xf32>
          %min3A_255 = vector.broadcast %transpose3A_129 : vector<512x1xf32> to vector<512x512xf32>
          %min3A_256 = vector.broadcast %get3A_238 : vector<1x512xf32> to vector<512x512xf32>
          %min3A_257 = arith.minimumf %min3A_255, %min3A_256 : vector<512x512xf32>
          %max3A_258 = vector.broadcast %transpose3A_127 : vector<512x1xf32> to vector<512x512xf32>
          %max3A_259 = vector.broadcast %get3A_232 : vector<1x512xf32> to vector<512x512xf32>
          %max3A_260 = arith.maximumf %max3A_258, %max3A_259 : vector<512x512xf32>
          %sub3A_261 = arith.subf %min3A_257, %max3A_260 : vector<512x512xf32>
          %max3A_262 = arith.constant 0.000000e+00 : f32
          %max3A_263 = vector.broadcast %max3A_262 : f32 to vector<512x512xf32>
          %max3A_264 = arith.maximumf %sub3A_261, %max3A_263 : vector<512x512xf32>
          %mul3A_265 = arith.mulf %max3A_254, %max3A_264 : vector<512x512xf32>
          %add3A_266 = vector.broadcast %transpose3A_130 : vector<512x1xf32> to vector<512x512xf32>
          %add3A_267 = vector.broadcast %get3A_241 : vector<1x512xf32> to vector<512x512xf32>
          %add3A_268 = arith.addf %add3A_266, %add3A_267 : vector<512x512xf32>
          %sub3A_269 = arith.subf %add3A_268, %mul3A_265 : vector<512x512xf32>
          %max3A_270 = arith.constant 9.99999971E-10 : f32
          %max3A_271 = vector.broadcast %max3A_270 : f32 to vector<512x512xf32>
          %max3A_272 = arith.maximumf %sub3A_269, %max3A_271 : vector<512x512xf32>
          %div3A_273 = arith.divf %mul3A_265, %max3A_272 : vector<512x512xf32>
          %gt3A_274 = arith.constant 4.500000e-01 : f32
          %gt3A_275 = vector.broadcast %gt3A_274 : f32 to vector<512x512xf32>
          %gt3A_276 = arith.cmpf ogt, %div3A_273, %gt3A_275 : vector<512x512xf32>
          %jit3A_277 = arith.constant 0.000000e+00 : f32
          %broadcast_in_dim3A_278 = vector.shape_cast %get3A_244 : vector<1x512xf32> to vector<1x512xf32>
          %broadcast_in_dim3A_279 = vector.broadcast %broadcast_in_dim3A_278 : vector<1x512xf32> to vector<512x512xf32>
          %broadcast_in_dim3A_280 = vector.broadcast %jit3A_277 : f32 to vector<512x512xf32>
          %select_n3A_281 = arith.select %gt3A_276, %broadcast_in_dim3A_279, %broadcast_in_dim3A_280 : vector<512x512xi1>, vector<512x512xf32>
          %max3A_282 = arith.maximumf %while3A_222, %select_n3A_281 : vector<512x512xf32>
          %add3A_283 = arith.constant 1 : i32
          %add3A_284 = arith.addi %mul3A_224, %add3A_283 : i32
          %get3A_285 = arith.index_cast %add3A_284 : i32 to index
          %get3A_286 = arith.constant 0 : index
          %get3A_287 = vector.load %arg2[%get3A_285, %get3A_286] : memref<10x512xf32, #tpu.memory_space<vmem>>, vector<1x512xf32>
          %get3A_288 = arith.index_cast %add3A_284 : i32 to index
          %get3A_289 = arith.constant 0 : index
          %get3A_290 = vector.load %arg3[%get3A_288, %get3A_289] : memref<10x512xf32, #tpu.memory_space<vmem>>, vector<1x512xf32>
          %get3A_291 = arith.index_cast %add3A_284 : i32 to index
          %get3A_292 = arith.constant 0 : index
          %get3A_293 = vector.load %arg4[%get3A_291, %get3A_292] : memref<10x512xf32, #tpu.memory_space<vmem>>, vector<1x512xf32>
          %get3A_294 = arith.index_cast %add3A_284 : i32 to index
          %get3A_295 = arith.constant 0 : index
          %get3A_296 = vector.load %arg5[%get3A_294, %get3A_295] : memref<10x512xf32, #tpu.memory_space<vmem>>, vector<1x512xf32>
          %get3A_297 = arith.index_cast %add3A_284 : i32 to index
          %get3A_298 = arith.constant 0 : index
          %get3A_299 = vector.load %arg6[%get3A_297, %get3A_298] : memref<10x512xf32, #tpu.memory_space<vmem>>, vector<1x512xf32>
          %get3A_300 = arith.index_cast %add3A_284 : i32 to index
          %get3A_301 = arith.constant 0 : index
          %get3A_302 = vector.load %arg8[%get3A_300, %get3A_301] : memref<10x512xf32, #tpu.memory_space<vmem>>, vector<1x512xf32>
          %min3A_303 = vector.broadcast %transpose3A_128 : vector<512x1xf32> to vector<512x512xf32>
          %min3A_304 = vector.broadcast %get3A_293 : vector<1x512xf32> to vector<512x512xf32>
          %min3A_305 = arith.minimumf %min3A_303, %min3A_304 : vector<512x512xf32>
          %max3A_306 = vector.broadcast %transpose3A : vector<512x1xf32> to vector<512x512xf32>
          %max3A_307 = vector.broadcast %get3A_287 : vector<1x512xf32> to vector<512x512xf32>
          %max3A_308 = arith.maximumf %max3A_306, %max3A_307 : vector<512x512xf32>
          %sub3A_309 = arith.subf %min3A_305, %max3A_308 : vector<512x512xf32>
          %max3A_310 = arith.constant 0.000000e+00 : f32
          %max3A_311 = vector.broadcast %max3A_310 : f32 to vector<512x512xf32>
          %max3A_312 = arith.maximumf %sub3A_309, %max3A_311 : vector<512x512xf32>
          %min3A_313 = vector.broadcast %transpose3A_129 : vector<512x1xf32> to vector<512x512xf32>
          %min3A_314 = vector.broadcast %get3A_296 : vector<1x512xf32> to vector<512x512xf32>
          %min3A_315 = arith.minimumf %min3A_313, %min3A_314 : vector<512x512xf32>
          %max3A_316 = vector.broadcast %transpose3A_127 : vector<512x1xf32> to vector<512x512xf32>
          %max3A_317 = vector.broadcast %get3A_290 : vector<1x512xf32> to vector<512x512xf32>
          %max3A_318 = arith.maximumf %max3A_316, %max3A_317 : vector<512x512xf32>
          %sub3A_319 = arith.subf %min3A_315, %max3A_318 : vector<512x512xf32>
          %max3A_320 = arith.constant 0.000000e+00 : f32
          %max3A_321 = vector.broadcast %max3A_320 : f32 to vector<512x512xf32>
          %max3A_322 = arith.maximumf %sub3A_319, %max3A_321 : vector<512x512xf32>
          %mul3A_323 = arith.mulf %max3A_312, %max3A_322 : vector<512x512xf32>
          %add3A_324 = vector.broadcast %transpose3A_130 : vector<512x1xf32> to vector<512x512xf32>
          %add3A_325 = vector.broadcast %get3A_299 : vector<1x512xf32> to vector<512x512xf32>
          %add3A_326 = arith.addf %add3A_324, %add3A_325 : vector<512x512xf32>
          %sub3A_327 = arith.subf %add3A_326, %mul3A_323 : vector<512x512xf32>
          %max3A_328 = arith.constant 9.99999971E-10 : f32
          %max3A_329 = vector.broadcast %max3A_328 : f32 to vector<512x512xf32>
          %max3A_330 = arith.maximumf %sub3A_327, %max3A_329 : vector<512x512xf32>
          %div3A_331 = arith.divf %mul3A_323, %max3A_330 : vector<512x512xf32>
          %gt3A_332 = arith.constant 4.500000e-01 : f32
          %gt3A_333 = vector.broadcast %gt3A_332 : f32 to vector<512x512xf32>
          %gt3A_334 = arith.cmpf ogt, %div3A_331, %gt3A_333 : vector<512x512xf32>
          %jit3A_335 = arith.constant 0.000000e+00 : f32
          %broadcast_in_dim3A_336 = vector.shape_cast %get3A_302 : vector<1x512xf32> to vector<1x512xf32>
          %broadcast_in_dim3A_337 = vector.broadcast %broadcast_in_dim3A_336 : vector<1x512xf32> to vector<512x512xf32>
          %broadcast_in_dim3A_338 = vector.broadcast %jit3A_335 : f32 to vector<512x512xf32>
          %select_n3A_339 = arith.select %gt3A_334, %broadcast_in_dim3A_337, %broadcast_in_dim3A_338 : vector<512x512xi1>, vector<512x512xf32>
          %max3A_340 = arith.maximumf %max3A_282, %select_n3A_339 : vector<512x512xf32>
          scf.yield %max3A_340 : vector<512x512xf32>
        }
        %reduce_max3A_166 = arith.constant dense<0xFF800000> : vector<512xf32>
        %reduce_max3A_167 = vector.multi_reduction <maximumf>, %while3A_165, %reduce_max3A_166 [1] : vector<512x512xf32> to vector<512xf32>
        %broadcast_in_dim3A_168 = vector.shape_cast %reduce_max3A_167 : vector<512xf32> to vector<512x1xf32>
        %gt3A_169 = arith.constant 0.000000e+00 : f32
        %gt3A_170 = vector.broadcast %gt3A_169 : f32 to vector<512x1xf32>
        %gt3A_171 = arith.cmpf ogt, %broadcast_in_dim3A_168, %gt3A_170 : vector<512x1xf32>
        %transpose3A_172 = tpu.transpose %gt3A_171, [1, 0] : vector<512x1xi1> -> vector<1x512xi1>
        %get3A_173 = arith.index_cast %scan3A_93 : i32 to index
        %get3A_174 = arith.constant 0 : index
        %get3A_175 = vector.load %arg7[%get3A_173, %get3A_174] : memref<10x512xf32, #tpu.memory_space<vmem>>, vector<1x512xf32>
        %jit3A_176 = arith.constant 0.000000e+00 : f32
        %broadcast_in_dim3A_177 = vector.broadcast %jit3A_176 : f32 to vector<1x512xf32>
        %select_n3A_178 = arith.select %transpose3A_172, %broadcast_in_dim3A_177, %get3A_175 : vector<1x512xi1>, vector<1x512xf32>
        %min3A = vector.broadcast %transpose3A_128 : vector<512x1xf32> to vector<512x512xf32>
        %min3A_179 = vector.broadcast %get3A_120 : vector<1x512xf32> to vector<512x512xf32>
        %min3A_180 = arith.minimumf %min3A, %min3A_179 : vector<512x512xf32>
        %max3A_181 = vector.broadcast %transpose3A : vector<512x1xf32> to vector<512x512xf32>
        %max3A_182 = vector.broadcast %get3A_114 : vector<1x512xf32> to vector<512x512xf32>
        %max3A_183 = arith.maximumf %max3A_181, %max3A_182 : vector<512x512xf32>
        %sub3A_184 = arith.subf %min3A_180, %max3A_183 : vector<512x512xf32>
        %max3A_185 = arith.constant 0.000000e+00 : f32
        %max3A_186 = vector.broadcast %max3A_185 : f32 to vector<512x512xf32>
        %max3A_187 = arith.maximumf %sub3A_184, %max3A_186 : vector<512x512xf32>
        %min3A_188 = vector.broadcast %transpose3A_129 : vector<512x1xf32> to vector<512x512xf32>
        %min3A_189 = vector.broadcast %get3A_123 : vector<1x512xf32> to vector<512x512xf32>
        %min3A_190 = arith.minimumf %min3A_188, %min3A_189 : vector<512x512xf32>
        %max3A_191 = vector.broadcast %transpose3A_127 : vector<512x1xf32> to vector<512x512xf32>
        %max3A_192 = vector.broadcast %get3A_117 : vector<1x512xf32> to vector<512x512xf32>
        %max3A_193 = arith.maximumf %max3A_191, %max3A_192 : vector<512x512xf32>
        %sub3A_194 = arith.subf %min3A_190, %max3A_193 : vector<512x512xf32>
        %max3A_195 = arith.constant 0.000000e+00 : f32
        %max3A_196 = vector.broadcast %max3A_195 : f32 to vector<512x512xf32>
        %max3A_197 = arith.maximumf %sub3A_194, %max3A_196 : vector<512x512xf32>
        %mul3A_198 = arith.mulf %max3A_187, %max3A_197 : vector<512x512xf32>
        %add3A_199 = vector.broadcast %transpose3A_130 : vector<512x1xf32> to vector<512x512xf32>
        %add3A_200 = vector.broadcast %get3A_126 : vector<1x512xf32> to vector<512x512xf32>
        %add3A_201 = arith.addf %add3A_199, %add3A_200 : vector<512x512xf32>
        %sub3A_202 = arith.subf %add3A_201, %mul3A_198 : vector<512x512xf32>
        %max3A_203 = arith.constant 9.99999971E-10 : f32
        %max3A_204 = vector.broadcast %max3A_203 : f32 to vector<512x512xf32>
        %max3A_205 = arith.maximumf %sub3A_202, %max3A_204 : vector<512x512xf32>
        %div3A_206 = arith.divf %mul3A_198, %max3A_205 : vector<512x512xf32>
        %gt3A_207 = arith.constant 4.500000e-01 : f32
        %gt3A_208 = vector.broadcast %gt3A_207 : f32 to vector<512x512xf32>
        %gt3A_209 = arith.cmpf ogt, %div3A_206, %gt3A_208 : vector<512x512xf32>
        %jit3A_210 = arith.constant 1.000000e+00 : f32
        %jit3A_211 = arith.constant 0.000000e+00 : f32
        %broadcast_in_dim3A_212 = vector.broadcast %jit3A_210 : f32 to vector<512x512xf32>
        %broadcast_in_dim3A_213 = vector.broadcast %jit3A_211 : f32 to vector<512x512xf32>
        %select_n3A_214 = arith.select %gt3A_209, %broadcast_in_dim3A_212, %broadcast_in_dim3A_213 : vector<512x512xi1>, vector<512x512xf32>
        %mul3A_215 = arith.mulf %select_n3A_214, %convert_element_type3A_74 : vector<512x512xf32>
        %while3A_216 = arith.constant false
        %while3A_217:2 = scf.while (%while3A_221 = %select_n3A_178, %while3A_222 = %while3A_216) : (vector<1x512xf32>, i1) -> (vector<1x512xf32>, i1) {
          %not3A = arith.constant true
          %not3A_223 = arith.xori %while3A_222, %not3A : i1
          scf.condition(%not3A_223) %while3A_221, %while3A_222 : vector<1x512xf32>, i1
        } do {
        ^bb0(%while3A_221: vector<1x512xf32>, %while3A_222: i1):
          %dot_general3A = arith.constant dense<0.000000e+00> : vector<1x512xf32>
          %dot_general3A_223 = tpu.matmul %while3A_221, %mul3A_215, %dot_general3A {dimension_numbers = #tpu.dot_dimension_numbers<[1], [0], [0], [1], [0, 0, 1, 1], [], []>, transpose_lhs_hint = false} : vector<1x512xf32>, vector<512x512xf32>, vector<1x512xf32> -> vector<1x512xf32>
          %gt3A_224 = arith.constant 0.000000e+00 : f32
          %gt3A_225 = vector.broadcast %gt3A_224 : f32 to vector<1x512xf32>
          %gt3A_226 = arith.cmpf ogt, %dot_general3A_223, %gt3A_225 : vector<1x512xf32>
          %jit3A_227 = arith.constant 0.000000e+00 : f32
          %broadcast_in_dim3A_228 = vector.broadcast %jit3A_227 : f32 to vector<1x512xf32>
          %select_n3A_229 = arith.select %gt3A_226, %broadcast_in_dim3A_228, %select_n3A_178 : vector<1x512xi1>, vector<1x512xf32>
          %eq3A = arith.cmpf oeq, %select_n3A_229, %while3A_221 : vector<1x512xf32>
          %reduce_and3A = arith.constant 1.000000e+00 : f32
          %reduce_and3A_230 = arith.constant 0.000000e+00 : f32
          %reduce_and3A_231 = vector.broadcast %reduce_and3A : f32 to vector<1x512xf32>
          %reduce_and3A_232 = vector.broadcast %reduce_and3A_230 : f32 to vector<1x512xf32>
          %reduce_and3A_233 = arith.select %eq3A, %reduce_and3A_231, %reduce_and3A_232 : vector<1x512xi1>, vector<1x512xf32>
          %reduce_and3A_234 = vector.shape_cast %reduce_and3A_233 : vector<1x512xf32> to vector<1x1x512xf32>
          %reduce_and3A_235 = arith.constant dense<0x7F800000> : vector<1xf32>
          %reduce_and3A_236 = vector.multi_reduction <minimumf>, %reduce_and3A_234, %reduce_and3A_235 [1, 2] : vector<1x1x512xf32> to vector<1xf32>
          %reduce_and3A_237 = vector.shape_cast %reduce_and3A_236 : vector<1xf32> to vector<1x1x1xf32>
          %reduce_and3A_238 = vector.extract %reduce_and3A_237[0, 0, 0] : f32 from vector<1x1x1xf32>
          %reduce_and3A_239 = arith.constant 0.000000e+00 : f32
          %reduce_and3A_240 = arith.cmpf ogt, %reduce_and3A_238, %reduce_and3A_239 : f32
          scf.yield %select_n3A_229, %reduce_and3A_240 : vector<1x512xf32>, i1
        }
        %swap3A_218 = arith.index_cast %scan3A_93 : i32 to index
        %swap3A_219 = arith.constant 0 : index
        %swap3A_220 = vector.load %arg8[%swap3A_218, %swap3A_219] : memref<10x512xf32, #tpu.memory_space<vmem>>, vector<1x512xf32>
        tpu.vector_store %arg8[%swap3A_218, %swap3A_219], %while3A_217#0 {strides = array<i32>} : memref<10x512xf32, #tpu.memory_space<vmem>>, vector<1x512xf32>,
      } else {
      }
    }
    %scan3A_78 = arith.constant 10 : i32
    %get3A_79 = arith.constant 0 : index
    %get3A_80 = arith.constant 0 : index
    %get3A_81 = arith.constant 0 : index
    %get3A_82 = vector.load %arg0[%get3A_79, %get3A_80, %get3A_81] : memref<7x10x512xf32, #tpu.memory_space<vmem>>, vector<7x10x512xf32>
    %get3A_83 = arith.constant 0 : index
    %get3A_84 = arith.constant 0 : index
    %get3A_85 = vector.load %arg8[%get3A_83, %get3A_84] : memref<10x512xf32, #tpu.memory_space<vmem>>, vector<10x512xf32>
    %broadcast_in_dim3A_86 = vector.shape_cast %get3A_85 : vector<10x512xf32> to vector<1x10x512xf32>
    %mul3A_87 = vector.broadcast %broadcast_in_dim3A_86 : vector<1x10x512xf32> to vector<7x10x512xf32>
    %mul3A_88 = arith.mulf %get3A_82, %mul3A_87 : vector<7x10x512xf32>
    %swap3A_89 = arith.constant 0 : index
    %swap3A_90 = arith.constant 0 : index
    %swap3A_91 = arith.constant 0 : index
    %swap3A_92 = vector.load %arg1[%swap3A_89, %swap3A_90, %swap3A_91] : memref<7x10x512xf32, #tpu.memory_space<vmem>>, vector<7x10x512xf32>
    tpu.vector_store %arg1[%swap3A_89, %swap3A_90, %swap3A_91], %mul3A_88 {strides = array<i32>} : memref<7x10x512xf32, #tpu.memory_space<vmem>>, vector<7x10x512xf32>,
    return
  }
}

</mosaic_0001>

<sc_bundles>
// kernel: kernel.4.cloned.1.call-start
scs
__scs_entry_jumppad:
0x0: {  	(pc) =	sbr.rel $0x88, $3  }
0x1: {  	(tag) =	ssettag $0x0;
	lr =	simm.s32 $0x1  }
0x2: {  	[smem:$0x3FA0] =	sst lr;
	_ =	strace $0xD0000000  }
0x3: {  	_ = 	snop  }
0x4: {  	_ = 	snop  }
0x5: {  	_ = 	snop  }
0x6: {  	_ = 	snop  }
0x7: {  	_ = 	snop  }
__scs_overlays_trampoline_lowered:
0x8: {  	[smem:$0x3FAF] =	sst s0  }
0x9: {  	[smem:$0x3FB0] =	sst s1  }
0xa: {  	[smem:$0x3FB1] =	sst s2  }
0xb: {  	[smem:$0x3FB2] =	sst s3  }
0xc: {  	[smem:$0x3FB3] =	sst s4  }
0xd: {  	[smem:$0x3FB4] =	sst s5  }
0xe: {  	[smem:$0x3FB5] =	sst s6  }
0xf: {  	[smem:$0x3FB6] =	sst s7  }
0x10: {  	[smem:$0x3FB7] =	sst s8  }
0x11: {  	[smem:$0x3FB8] =	sst s9;
	s0 =	simm.s32 @!p0 $0x0  }
0x12: {  	s1 =	sld [smem:$0x3F9E];
	s0 =	simm.s32 @p0 $0x1  }
0x13: {  	[smem:$0x3FB9] =	sst s0;
	s0 =	simm.s32 @!p1 $0x0  }
0x14: {  	s2 =	sld [smem:$0x3F9D];
	s0 =	simm.s32 @p1 $0x1  }
0x15: {  	[smem:$0x3FBA] =	sst s0;
	s0 =	simm.s32 @!p2 $0x0  }
0x16: {  	s3 =	sld [smem:$0x3FDB];
	s0 =	simm.s32 @p2 $0x1  }
0x17: {  	s4 =	simm.s32 $0x1BF5;
	[smem:$0x3FBC] =	sst s0  }
0x18: {  	s0 =	sld [smem:$0x3F9F];
	_ =	swait.ge [sflag:s4], $0x0  }
0x19: {  	s7 =	sld [smem:$0x3FA0]  }
0x1a: {  	s8 =	sadd.s32 $0xFFFFE003, lr  }
0x1b: {  	s9 =	sadd.s32 $0xFFFFFEF7, lr;
	s5 =	simm.s32 $0xFFFFFFFF;
	p2 =	slt.u32 s8, $0xFFFFF086  }
0x1c: {  	p1 =	slt.u32 s9, $0xF7A;
	s5 =	simm.s32 @!p2 $0x0  }
0x1d: {  	s5 =	simm.s32 @p1 $0x1;
	p0 =	seq.s32 s7, s2  }
0x1e: {  	s7 =	smul.u32 @!p0 $0xF7A, s2;
	p2 =	seq.s32 @!p0 s5, $0x0  }
0x1f: {  	s9 =	smul.u32 $0xF7A, s1;
	s8 =	simm.s32 @!p0 $0x1BF5;
	p2 =	por !p2, p0  }
0x20: {  	[sflag:s8] =	ssyncset.s32 @!p0 $0xFFFFF086;
	s6 =	sadd.s32 @!p0 s3, s7;
	s7 =	simm.s32 @!p0 $0x108  }
0x21: {  	s3 =	sadd.s32 s3, s9;
	s6 =	sadd.s32 @!p0 $0x88, s6;
	s7 =	simm.s32 @p2 $0x1082  }
0x22: {  	[simem:s7], [sflag:s8] =	dma.local @!p0 [hbm:s6], $0xF7A  }
0x23: {  	s9 =	sor.u32 $0xD0000000, s2;
	s6 =	simm.s32 $0x108;
	_ =	swait.ge @!p0 [sflag:s8], $0x0  }
0x24: {  	s3 =	sadd.s32 $0x88, s3;
	s6 =	simm.s32 @!p1 $0x1082;
	[sflag:s4] =	ssyncset.s32 $0xFFFFF086  }
0x25: {  	[simem:s6], [sflag:s4] =	dma.local [hbm:s3], $0xF7A  }
0x26: {  	[smem:$0x3FA0] =	sst s1;
	(tag) =	ssettag s2;
	_ =	strace s9  }
0x27: {  	s1 =	sld [smem:$0x3FB0]  }
0x28: {  	s2 =	sld [smem:$0x3FB1]  }
0x29: {  	s4 =	sld [smem:$0x3FB3]  }
0x2a: {  	p0 =	seq.s32 s5, $0x0;
	s5 =	sld [smem:$0x3FB4]  }
0x2b: {  	s6 =	sld [smem:$0x3FB5]  }
0x2c: {  	s7 =	sld [smem:$0x3FB6]  }
0x2d: {  	s3 =	simm.s32 $0x108;
	s8 =	sld [smem:$0x3FB7]  }
0x2e: {  	s3 =	simm.s32 @!p0 $0x1082;
	s9 =	sld [smem:$0x3FB8]  }
0x2f: {  	lr =	sadd.s32 s0, s3;
	s0 =	sld [smem:$0x3FAF]  }
0x30: {  	s3 =	sld [smem:$0x3FB2]  }
0x31: {  	[smem:$0x3FBB] =	sst s10  }
0x32: {  	s10 =	sld [smem:$0x3FB9];
	_ =	sdelay $0x3  }
0x33: {  	p0 =	seq.s32 s10, $0x1;
	s10 =	sld [smem:$0x3FBB];
	_ =	sdelay $0x3  }
0x34: {  	[smem:$0x3FBB] =	sst s10  }
0x35: {  	s10 =	sld [smem:$0x3FBA];
	_ =	sdelay $0x3  }
0x36: {  	p1 =	seq.s32 s10, $0x1;
	s10 =	sld [smem:$0x3FBB];
	_ =	sdelay $0x3  }
0x37: {  	[smem:$0x3FBB] =	sst s10  }
0x38: {  	s10 =	sld [smem:$0x3FBC]  }
0x39: {  	_ = 	snop;
	(pc) =	sbr.ind lr, $3  }
0x3a: {  	_ = 	snop  }
0x3b: {  	_ = 	snop  }
0x3c: {  	p2 =	seq.s32 s10, $0x1;
	s10 =	sld [smem:$0x3FBB]  }
0x3d: {  	_ =	shalt  }
0x3e: {  	_ =	shalt  }
0x3f: {  	_ =	shalt  }
0x40: {  	_ =	shalt  }
0x41: {  	_ =	shalt  }
0x42: {  	_ =	shalt  }
0x43: {  	_ =	shalt  }
0x44: {  	_ =	shalt  }
0x45: {  	_ =	shalt  }
0x46: {  	_ =	shalt  }
0x47: {  	_ =	shalt  }
0x48: {  	_ =	shalt  }
0x49: {  	_ =	shalt  }
0x4a: {  	_ =	shalt  }
0x4b: {  	_ =	shalt  }
0x4c: {  	_ =	shalt  }
0x4d: {  	_ =	shalt  }
0x4e: {  	_ =	shalt  }
0x4f: {  	_ =	shalt  }
0x50: {  	_ =	shalt  }
0x51: {  	_ =	shalt  }
0x52: {  	_ =	shalt  }
0x53: {  	_ =	shalt  }
0x54: {  	_ =	shalt  }
0x55: {  	_ =	shalt  }
0x56: {  	_ =	shalt  }
0x57: {  	_ =	shalt  }
0x58: {  	_ =	shalt  }
0x59: {  	_ =	shalt  }
0x5a: {  	_ =	shalt  }
0x5b: {  	_ =	shalt  }
0x5c: {  	_ =	shalt  }
0x5d: {  	_ =	shalt  }
0x5e: {  	_ =	shalt  }
0x5f: {  	_ =	shalt  }
0x60: {  	_ =	shalt  }
0x61: {  	_ =	shalt  }
0x62: {  	_ =	shalt  }
0x63: {  	_ =	shalt  }
0x64: {  	_ =	shalt  }
0x65: {  	_ =	shalt  }
0x66: {  	_ =	shalt  }
0x67: {  	_ =	shalt  }
0x68: {  	_ =	shalt  }
0x69: {  	_ =	shalt  }
0x6a: {  	_ =	shalt  }
0x6b: {  	_ =	shalt  }
0x6c: {  	_ =	shalt  }
0x6d: {  	_ =	shalt  }
0x6e: {  	_ =	shalt  }
0x6f: {  	_ =	shalt  }
0x70: {  	_ =	shalt  }
0x71: {  	_ =	shalt  }
0x72: {  	_ =	shalt  }
0x73: {  	_ =	shalt  }
0x74: {  	_ =	shalt  }
0x75: {  	_ =	shalt  }
0x76: {  	_ =	shalt  }
0x77: {  	_ =	shalt  }
0x78: {  	_ =	shalt  }
0x79: {  	_ =	shalt  }
0x7a: {  	_ =	shalt  }
0x7b: {  	_ =	shalt  }
0x7c: {  	_ =	shalt  }
0x7d: {  	_ =	shalt  }
0x7e: {  	_ =	shalt  }
0x7f: {  	_ =	shalt  }
0x80: {  	_ =	shalt  }
0x81: {  	_ =	shalt  }
0x82: {  	_ =	shalt  }
0x83: {  	_ =	shalt  }
0x84: {  	_ =	shalt  }
0x85: {  	_ =	shalt  }
0x86: {  	_ =	shalt  }
0x87: {  	_ =	shalt  }
.Lfunc_end0:
.L_simem_size_0:
called_computation_lowered:
.L_overlay_start_0:
0x88: {  	s2 =	sld [smem:$0x3FD9]  }
0x89: {  	s3 =	sld [smem:$0x3FFE];
	_ =	sdelay $0x1  }
0x8a: {  	s1 =	srdreg.scid  }
0x8b: {  	s0 =	sand.u32 $0x1, s1  }
0x8c: {  	s17 =	sshll.u32 s0, $0xA;
	s2 =	sadd.s32 s3, s2  }
0x8d: {  	s2 =	sadd.s32 s2, s17  }
0x8e: {  	[smem:$0x3FC7] =	sst s2  }
0x8f: {  	_ = 	snop  }
0x90: {  	s2 =	sld [smem:$0x3FD0];
	(tm) =	ssettm $0x1  }
0x91: {  	s18 =	sld [smem:$0x3FFB];
	_ =	sdelay $0x3  }
0x92: {  	_ =	strace s18  }
0x93: {  	s3 =	sld [smem:$0x3FFC];
	_ =	sdelay $0x3  }
0x94: {  	_ =	strace s3  }
0x95: {  	s3 =	sld [smem:$0x3FFD];
	_ =	sdelay $0x3  }
0x96: {  	_ =	strace s3  }
0x97: {  	_ =	strace $0x8FFFFFFF  }
0x98: {  	s19 =	sld [smem:$0x3FDB];
	_ =	sdelay $0x1  }
0x99: {  	s4 =	simm.s32 $_scs_section_size  }
0x9a: {  	s5 =	simm.s32 $_size__tile_overlayer_lowered;
	s6 =	simm.s32 $_tile_overlayer_lowered  }
0x9b: {  	s22 =	simm.s32 $0x1BFF;
	s21 =	sshll.u32 s6, $0x1;
	s3 =	sadd.s32 s4, s19  }
0x9c: {  	s7 =	simm.s32 $0x0;
	s20 =	sshll.u32 s5, $0x1;
	s5 =	sadd.s32 s21, s3  }
0x9d: {  	[timem:s7], [sflag:s22] =	dma.local [hbm:s5], s20  }
0x9e: {  	_ =	swait.ge [sflag:s22], s20  }
0x9f: {  	s4 =	ssub.s32 $0x0, s20;
	[sflag:s22] =	ssyncset.done $0x0  }
0xa0: {  	[sflag:s22] =	ssyncadd.s32 s4;
	_ =	sdelay $0x1  }
0xa1: {  	s23 =	simm.s32 $0x1B8B  }
0xa2: {  	_ =	swait.ge [sflag:s23], $0x1  }
0xa3: {  	[sflag:s23] =	ssyncset.done $0x0  }
0xa4: {  	s25 =	simm.s32 $0x1B8E;
	s24 =	sld [smem:$0x3FFE];
	[sflag:s23] =	ssyncadd.s32 $0xFFFFFFFF  }
0xa5: {  	s26 =	simm.s32 $execute0_lowered;
	[smem:$0x3FD2] =	sst s25  }
0xa6: {  	s5 =	sshll.u32 s26, $0x1;
	_ =	strace $0x80000046;
	[dreg:$0x1] =	wrdreg $0xFFFFFFFF  }
0xa7: {  	s28 =	simm.s32 $_size_execute0_lowered;
	s3 =	sadd.s32 s3, s5;
	[dreg:$0x0] =	wrdreg $0x0  }
0xa8: {  	s5 =	sshll.u32 s28, $0x1;
	[dreg:$0x2] =	wrdreg s3  }
0xa9: {  	[dreg:$0x3] =	wrdreg s5  }
0xaa: {  	[dreg:$0x4] =	wrdreg $0xC0  }
0xab: {  	_ =	task [dreg:s7], $0x5FFFF  }
0xac: {  	[dreg:$0x1] =	wrdreg $0xFFFFFFFF  }
0xad: {  	[dreg:$0x0] =	wrdreg $0x60  }
0xae: {  	[dreg:$0x2] =	wrdreg s2  }
0xaf: {  	[dreg:$0x3] =	wrdreg s24  }
0xb0: {  	[dreg:$0x4] =	wrdreg $0x9  }
0xb1: {  	_ =	task.clear_ibuf [dreg:s7], $0x5FFFF;
	_ =	strace $0x90000046  }
0xb2: {  	s29 =	simm.s32 $0x9;
	_ =	strace $0x80000048  }
0xb3: {  	_ =	swait.ge [sflag:s29], $0x1  }
0xb4: {  	[sflag:s29] =	ssyncadd.s32 $0xFFFFFFFF  }
0xb5: {  	_ =	strace $0x90000048  }
0xb6: {  	_ =	sfence  }
0xb7: {  	s30 =	sld [smem:$0x0];
	_ =	sdelay $0x2  }
0xb8: {  	s31 =	sshll.u32 s1, $0xD;
	s1 =	sshrl.u32 s1, $0x2  }
0xb9: {  	s3 =	sand.u32 $0x4000, s31;
	s1 =	sadd.s32 s1, s30  }
0xba: {  	s0 =	sor.u32 s3, s0;
	s1 =	sshll.u32 s1, $0x11  }
0xbb: {  	s0 =	sor.u32 s1, s0  }
0xbc: {  	s0 =	sadd.s32 $0x8F2B, s0  }
0xbd: {  	[sflag:s0] =	ssyncadd.remote.s32 $0x1  }
0xbe: {  	_ =	sfence.sel $0xFFFF  }
0xbf: {  	[dreg:$0x0] =	wrdreg $0xFFFFFFFF;
	(pc) =	sbr.abs _section_cstart, $3  }
0xc0: {  	[dreg:$0x1] =	wrdreg $0xFFFFFFFF  }
0xc1: {  	_ =	task.clear_ibuf [dreg:s7], $0x2FFFF;
	_ =	strace $0x9FFFFFFF  }
0xc2: {  	(tm) =	ssettm $0x7FFFFFFF  }
0xc3: {  	_ =	shalt  }
tec
execute0_lowered:
.L_overlay_start_1:
0x0: {  	(tag) =	ssettag $0x1  }
0x1: {  	s1 =	srdreg.scid;
	s0 =	stileid.u32  }
0x2: {  	s1 =	sand.u32 $0x1, s1;
	s3 =	sshll.u32 s0, $0x1  }
0x3: {  	s2 =	rddreg [dreg:$0x0];
	s3 =	sor.u32 s1, s3  }
0x4: {  	s4 =	rddreg [dreg:$0x1];
	s5 =	smul.u32 $0x8C, s3;
	s3 =	simm.s32 $0x0  }
0x5: {  	s23 =	simm.s32 $0x4D0;
	[smem:$0x7FF] =	sst s3  }
0x6: {  	s24 =	simm.s32 $0xA0;
	_ =	strace $0x80000047;
	[dreg:$0x4] =	wrdreg s23  }
0x7: {  	s6 =	simm.s32 $0x520;
	s4 =	sadd.s32 s4, s5;
	[dreg:$0x5] =	wrdreg s24  }
0x8: {  	[dreg:$0x6] =	wrdreg s6;
	s5 =	sadd.s32 $0x1200, s4  }
0x9: {  	[tilespmem:s3], [sflag:$0x2] =	stream.linear.gather [hbm4b:s4+s3], $0x460, $0x38;
	[tilespmem:$0x900] =	vst v63  }
0xa: {  	[dreg:$0x3] =	wrdreg s5;
	s5 =	simm.s32 $0x2  }
0xb: {  	_ =	swait.ge [sflag:s5], $0x460  }
0xc: {  	s7 =	simm.s32 $0x480;
	[sflag:s5] =	ssyncset.done $0x0  }
0xd: {  	s6 =	simm.s32 $0x50;
	s8 =	rddreg [dreg:$0x6];
	[sflag:s5] =	ssyncadd.s32 $0xFFFFFBA0  }
0xe: {  	[tilespmem:s7], [sflag:$0x1] =	stream.indirect.gather [hbm4b:s2+s6], $0x1, s3, s6, $0xb8;
	[tilespmem:$0x900] =	vst v63  }
0xf: {  	s9 =	rddreg [dreg:$0x4]  }
0x10: {  	[tilespmem:s9], [sflag:$0x1] =	stream.indirect.gather [hbm4b:s2+s6], $0x1, s6, s6, $0xb8;
	[tilespmem:$0x900] =	vst v63  }
0x11: {  	s10 =	rddreg [dreg:$0x5]  }
0x12: {  	[tilespmem:s8], [sflag:$0x1] =	stream.indirect.gather [hbm4b:s2+s6], $0x1, s10, s6, $0xb8;
	[tilespmem:$0x900] =	vst v63  }
0x13: {  	s25 =	simm.s32 $0xF0;
	s26 =	simm.s32 $0x570  }
0x14: {  	[tilespmem:s26], [sflag:$0x1] =	stream.indirect.gather [hbm4b:s2+s6], $0x1, s25, s6, $0xb8;
	[tilespmem:$0x900] =	vst v63  }
0x15: {  	s11 =	simm.s32 $0x5C0;
	s10 =	simm.s32 $0x140  }
0x16: {  	[tilespmem:s11], [sflag:$0x1] =	stream.indirect.gather [hbm4b:s2+s6], $0x1, s10, s6, $0xb8;
	[tilespmem:$0x900] =	vst v63  }
0x17: {  	s12 =	simm.s32 $0x190;
	s13 =	simm.s32 $0x610  }
0x18: {  	[tilespmem:s13], [sflag:$0x1] =	stream.indirect.gather [hbm4b:s2+s6], $0x1, s12, s6, $0xb8;
	[tilespmem:$0x900] =	vst v63  }
0x19: {  	s14 =	simm.s32 $0x1E0;
	s15 =	simm.s32 $0x660  }
0x1a: {  	[tilespmem:s15], [sflag:$0x1] =	stream.indirect.gather [hbm4b:s2+s6], $0x1, s14, s6, $0xb8;
	[tilespmem:$0x900] =	vst v63  }
0x1b: {  	s16 =	simm.s32 $0x230;
	s17 =	simm.s32 $0x6B0  }
0x1c: {  	[tilespmem:s17], [sflag:$0x1] =	stream.indirect.gather [hbm4b:s2+s6], $0x1, s16, s6, $0xb8;
	[tilespmem:$0x900] =	vst v63  }
0x1d: {  	s18 =	simm.s32 $0x280;
	s19 =	simm.s32 $0x700  }
0x1e: {  	[tilespmem:s19], [sflag:$0x1] =	stream.indirect.gather [hbm4b:s2+s6], $0x1, s18, s6, $0xb8;
	[tilespmem:$0x900] =	vst v63  }
0x1f: {  	s20 =	simm.s32 $0x2D0;
	s21 =	simm.s32 $0x750  }
0x20: {  	[tilespmem:s21], [sflag:$0x1] =	stream.indirect.gather [hbm4b:s2+s6], $0x1, s20, s6, $0xb8;
	[tilespmem:$0x900] =	vst v63  }
0x21: {  	s22 =	simm.s32 $0x320;
	s23 =	simm.s32 $0x7A0  }
0x22: {  	[tilespmem:s23], [sflag:$0x1] =	stream.indirect.gather [hbm4b:s2+s6], $0x1, s22, s6, $0xb8;
	[tilespmem:$0x900] =	vst v63  }
0x23: {  	s24 =	simm.s32 $0x370;
	s25 =	simm.s32 $0x7F0  }
0x24: {  	[tilespmem:s25], [sflag:$0x1] =	stream.indirect.gather [hbm4b:s2+s6], $0x1, s24, s6, $0xb8;
	[tilespmem:$0x900] =	vst v63  }
0x25: {  	s28 =	simm.s32 $0x840;
	s26 =	simm.s32 $0x3C0  }
0x26: {  	[tilespmem:s28], [sflag:$0x1] =	stream.indirect.gather [hbm4b:s2+s6], $0x1, s26, s6, $0xb8;
	[tilespmem:$0x900] =	vst v63  }
0x27: {  	s29 =	simm.s32 $0x410;
	s30 =	simm.s32 $0x890;
	s31 =	simm.s32 $0x1  }
0x28: {  	[tilespmem:s30], [sflag:$0x1] =	stream.indirect.gather [hbm4b:s2+s6], $0x1, s29, s6, $0xb8;
	[tilespmem:$0x900] =	vst v63  }
0x29: {  	_ =	swait.ge [sflag:s31], $0x50  }
0x2a: {  	[sflag:s31] =	ssyncset.done $0x0  }
0x2b: {  	[sflag:s31] =	ssyncadd.s32 $0xFFFFFFB0  }
0x2c: {  	_ =	swait.ge [sflag:s31], $0x50  }
0x2d: {  	[sflag:s31] =	ssyncset.done $0x0  }
0x2e: {  	[sflag:s31] =	ssyncadd.s32 $0xFFFFFFB0  }
0x2f: {  	_ =	swait.ge [sflag:s31], $0x50  }
0x30: {  	[sflag:s31] =	ssyncset.done $0x0  }
0x31: {  	[sflag:s31] =	ssyncadd.s32 $0xFFFFFFB0  }
0x32: {  	_ =	swait.ge [sflag:s31], $0x50  }
0x33: {  	[sflag:s31] =	ssyncset.done $0x0  }
0x34: {  	[sflag:s31] =	ssyncadd.s32 $0xFFFFFFB0  }
0x35: {  	_ =	swait.ge [sflag:s31], $0x50  }
0x36: {  	[sflag:s31] =	ssyncset.done $0x0  }
0x37: {  	[sflag:s31] =	ssyncadd.s32 $0xFFFFFFB0  }
0x38: {  	_ =	swait.ge [sflag:s31], $0x50  }
0x39: {  	[sflag:s31] =	ssyncset.done $0x0  }
0x3a: {  	[sflag:s31] =	ssyncadd.s32 $0xFFFFFFB0  }
0x3b: {  	_ =	swait.ge [sflag:s31], $0x50  }
0x3c: {  	[sflag:s31] =	ssyncset.done $0x0  }
0x3d: {  	[sflag:s31] =	ssyncadd.s32 $0xFFFFFFB0  }
0x3e: {  	_ =	swait.ge [sflag:s31], $0x50  }
0x3f: {  	[sflag:s31] =	ssyncset.done $0x0  }
0x40: {  	[sflag:s31] =	ssyncadd.s32 $0xFFFFFFB0  }
0x41: {  	_ =	swait.ge [sflag:s31], $0x50  }
0x42: {  	[sflag:s31] =	ssyncset.done $0x0  }
0x43: {  	[sflag:s31] =	ssyncadd.s32 $0xFFFFFFB0  }
0x44: {  	_ =	swait.ge [sflag:s31], $0x50  }
0x45: {  	[sflag:s31] =	ssyncset.done $0x0  }
0x46: {  	[sflag:s31] =	ssyncadd.s32 $0xFFFFFFB0  }
0x47: {  	_ =	swait.ge [sflag:s31], $0x50  }
0x48: {  	[sflag:s31] =	ssyncset.done $0x0  }
0x49: {  	[sflag:s31] =	ssyncadd.s32 $0xFFFFFFB0  }
0x4a: {  	_ =	swait.ge [sflag:s31], $0x50  }
0x4b: {  	[sflag:s31] =	ssyncset.done $0x0  }
0x4c: {  	s1 =	ssub.s32 $0x2, s1;
	[sflag:s31] =	ssyncadd.s32 $0xFFFFFFB0  }
0x4d: {  	s9 =	sshrl.u32 s1, $0x1;
	_ =	swait.ge [sflag:s31], $0x50  }
0x4e: {  	s0 =	ssub.s32 s1, s9;
	[sflag:s31] =	ssyncset.done $0x0  }
0x4f: {  	s0 =	smax.u32 s0, $0x1;
	[sflag:s31] =	ssyncadd.s32 $0xFFFFFFB0  }
0x50: {  	p0 =	sne.s32 s0, $0x1;
	_ =	swait.ge [sflag:s31], $0x50  }
.Ltmp0:
0x51: {  	[sflag:s31] =	ssyncset.done $0x0;
	(pc) =	sbr.rel @!p0 .LBB2_2-.Ltmp0, $4  }
0x52: {  	s8 =	rddreg [dreg:$0x3];
	[sflag:s31] =	ssyncadd.s32 $0xFFFFFFB0  }
0x53: {  	[hbm4b:s8+s3] =	stream.linear.scatter [tilespmem:s7], [sflag:$0x2], $0x460, $0x38;
	[tilespmem:$0x900] =	vst v63  }
0x54: {  	_ =	swait.ge [sflag:s5], $0x460  }
0x55: {  	s1 =	sadd.s32 $0xFFFFFFFF, s0;
	[sflag:s5] =	ssyncset.done $0x0  }
.LBB2_1:
0x56: {  	[sflag:s5] =	ssyncadd.s32 $0xFFFFFBA0  }
0x57: {  	[tilespmem:s3], [sflag:$0x2] =	stream.linear.gather [hbm4b:s4+s3], $0x460, $0x38;
	[tilespmem:$0x900] =	vst v63  }
0x58: {  	_ =	swait.ge [sflag:s5], $0x460  }
0x59: {  	[sflag:s5] =	ssyncset.done $0x0  }
0x5a: {  	s0 =	rddreg [dreg:$0x6];
	[sflag:s5] =	ssyncadd.s32 $0xFFFFFBA0  }
0x5b: {  	[tilespmem:s7], [sflag:$0x1] =	stream.indirect.gather [hbm4b:s2+s6], $0x1, s3, s6, $0xb8;
	[tilespmem:$0x900] =	vst v63  }
0x5c: {  	s8 =	rddreg [dreg:$0x4]  }
0x5d: {  	[tilespmem:s8], [sflag:$0x1] =	stream.indirect.gather [hbm4b:s2+s6], $0x1, s6, s6, $0xb8;
	[tilespmem:$0x900] =	vst v63  }
0x5e: {  	s9 =	rddreg [dreg:$0x5]  }
0x5f: {  	[tilespmem:s0], [sflag:$0x1] =	stream.indirect.gather [hbm4b:s2+s6], $0x1, s9, s6, $0xb8;
	[tilespmem:$0x900] =	vst v63  }
0x60: {  	s8 =	simm.s32 $0xF0;
	s9 =	simm.s32 $0x570  }
0x61: {  	[tilespmem:s9], [sflag:$0x1] =	stream.indirect.gather [hbm4b:s2+s6], $0x1, s8, s6, $0xb8;
	[tilespmem:$0x900] =	vst v63  }
0x62: {  	_ = 	snop  }
0x63: {  	[tilespmem:s11], [sflag:$0x1] =	stream.indirect.gather [hbm4b:s2+s6], $0x1, s10, s6, $0xb8;
	[tilespmem:$0x900] =	vst v63  }
0x64: {  	_ = 	snop  }
0x65: {  	[tilespmem:s13], [sflag:$0x1] =	stream.indirect.gather [hbm4b:s2+s6], $0x1, s12, s6, $0xb8;
	[tilespmem:$0x900] =	vst v63  }
0x66: {  	_ = 	snop  }
0x67: {  	[tilespmem:s15], [sflag:$0x1] =	stream.indirect.gather [hbm4b:s2+s6], $0x1, s14, s6, $0xb8;
	[tilespmem:$0x900] =	vst v63  }
0x68: {  	_ = 	snop  }
0x69: {  	[tilespmem:s17], [sflag:$0x1] =	stream.indirect.gather [hbm4b:s2+s6], $0x1, s16, s6, $0xb8;
	[tilespmem:$0x900] =	vst v63  }
0x6a: {  	_ = 	snop  }
0x6b: {  	[tilespmem:s19], [sflag:$0x1] =	stream.indirect.gather [hbm4b:s2+s6], $0x1, s18, s6, $0xb8;
	[tilespmem:$0x900] =	vst v63  }
0x6c: {  	_ = 	snop  }
0x6d: {  	[tilespmem:s21], [sflag:$0x1] =	stream.indirect.gather [hbm4b:s2+s6], $0x1, s20, s6, $0xb8;
	[tilespmem:$0x900] =	vst v63  }
0x6e: {  	_ = 	snop  }
0x6f: {  	[tilespmem:s23], [sflag:$0x1] =	stream.indirect.gather [hbm4b:s2+s6], $0x1, s22, s6, $0xb8;
	[tilespmem:$0x900] =	vst v63  }
0x70: {  	_ = 	snop  }
0x71: {  	[tilespmem:s25], [sflag:$0x1] =	stream.indirect.gather [hbm4b:s2+s6], $0x1, s24, s6, $0xb8;
	[tilespmem:$0x900] =	vst v63  }
0x72: {  	_ = 	snop  }
0x73: {  	[tilespmem:s28], [sflag:$0x1] =	stream.indirect.gather [hbm4b:s2+s6], $0x1, s26, s6, $0xb8;
	[tilespmem:$0x900] =	vst v63  }
0x74: {  	_ = 	snop  }
0x75: {  	[tilespmem:s30], [sflag:$0x1] =	stream.indirect.gather [hbm4b:s2+s6], $0x1, s29, s6, $0xb8;
	[tilespmem:$0x900] =	vst v63  }
0x76: {  	_ =	swait.ge [sflag:s31], $0x50  }
0x77: {  	[sflag:s31] =	ssyncset.done $0x0  }
0x78: {  	[sflag:s31] =	ssyncadd.s32 $0xFFFFFFB0  }
0x79: {  	_ =	swait.ge [sflag:s31], $0x50  }
0x7a: {  	[sflag:s31] =	ssyncset.done $0x0  }
0x7b: {  	[sflag:s31] =	ssyncadd.s32 $0xFFFFFFB0  }
0x7c: {  	_ =	swait.ge [sflag:s31], $0x50  }
0x7d: {  	[sflag:s31] =	ssyncset.done $0x0  }
0x7e: {  	[sflag:s31] =	ssyncadd.s32 $0xFFFFFFB0  }
0x7f: {  	_ =	swait.ge [sflag:s31], $0x50  }
0x80: {  	[sflag:s31] =	ssyncset.done $0x0  }
0x81: {  	[sflag:s31] =	ssyncadd.s32 $0xFFFFFFB0  }
0x82: {  	_ =	swait.ge [sflag:s31], $0x50  }
0x83: {  	[sflag:s31] =	ssyncset.done $0x0  }
0x84: {  	[sflag:s31] =	ssyncadd.s32 $0xFFFFFFB0  }
0x85: {  	_ =	swait.ge [sflag:s31], $0x50  }
0x86: {  	[sflag:s31] =	ssyncset.done $0x0  }
0x87: {  	[sflag:s31] =	ssyncadd.s32 $0xFFFFFFB0  }
0x88: {  	_ =	swait.ge [sflag:s31], $0x50  }
0x89: {  	[sflag:s31] =	ssyncset.done $0x0  }
0x8a: {  	[sflag:s31] =	ssyncadd.s32 $0xFFFFFFB0  }
0x8b: {  	_ =	swait.ge [sflag:s31], $0x50  }
0x8c: {  	[sflag:s31] =	ssyncset.done $0x0  }
0x8d: {  	[sflag:s31] =	ssyncadd.s32 $0xFFFFFFB0  }
0x8e: {  	_ =	swait.ge [sflag:s31], $0x50  }
0x8f: {  	[sflag:s31] =	ssyncset.done $0x0  }
0x90: {  	[sflag:s31] =	ssyncadd.s32 $0xFFFFFFB0  }
0x91: {  	_ =	swait.ge [sflag:s31], $0x50  }
0x92: {  	[sflag:s31] =	ssyncset.done $0x0  }
0x93: {  	[sflag:s31] =	ssyncadd.s32 $0xFFFFFFB0  }
0x94: {  	_ =	swait.ge [sflag:s31], $0x50  }
0x95: {  	[sflag:s31] =	ssyncset.done $0x0  }
0x96: {  	[sflag:s31] =	ssyncadd.s32 $0xFFFFFFB0  }
0x97: {  	_ =	swait.ge [sflag:s31], $0x50  }
0x98: {  	[sflag:s31] =	ssyncset.done $0x0  }
0x99: {  	[sflag:s31] =	ssyncadd.s32 $0xFFFFFFB0  }
0x9a: {  	_ =	swait.ge [sflag:s31], $0x50  }
0x9b: {  	[sflag:s31] =	ssyncset.done $0x0  }
0x9c: {  	[sflag:s31] =	ssyncadd.s32 $0xFFFFFFB0  }
0x9d: {  	p0 =	sne.s32 s1, $0x1;
	_ =	swait.ge [sflag:s31], $0x50  }
.Ltmp1:
0x9e: {  	[sflag:s31] =	ssyncset.done $0x0;
	(pc) =	sbr.rel @p0 .LBB2_1-.Ltmp1, $4  }
0x9f: {  	s9 =	rddreg [dreg:$0x3];
	[sflag:s31] =	ssyncadd.s32 $0xFFFFFFB0  }
0xa0: {  	[hbm4b:s9+s3] =	stream.linear.scatter [tilespmem:s7], [sflag:$0x2], $0x460, $0x38;
	[tilespmem:$0x900] =	vst v63  }
0xa1: {  	_ =	swait.ge [sflag:s5], $0x460  }
0xa2: {  	s1 =	sadd.s32 $0xFFFFFFFF, s1;
	[sflag:s5] =	ssyncset.done $0x0  }
.LBB2_2:
0xa3: {  	[sflag:s5] =	ssyncadd.s32 $0xFFFFFBA0  }
0xa4: {  	_ =	sfence.sel $0x180000  }
0xa5: {  	[bflag:$0x0] =	sbarrier.arrive $0xFFFF  }
0xa6: {  	_ =	strace $0x90000047  }
0xa7: {  	s0 =	stileid.u32;
	[bflag:$0x2] =	sbarrier.arrive $0xFFFF  }
0xa8: {  	p0 =	sne.s32 s0, $0x0;
	s0 =	rddreg [dreg:$0x2]  }
0xa9: {  	s0 =	sadd.s32 @!p0 $0x100000, s0  }
0xaa: {  	[sflag:s0] =	ssyncadd.tile.s32 @!p0 $0x1;
	_ =	shalt  }
.Lfunc_end2:
_tile_overlayer_lowered:
.L_overlay_start_2:
0xab: {  	(tag) =	ssettag $0x2  }
0xac: {  	s0 =	rddreg [dreg:$0x0];
	s2 =	stileid.u32  }
0xad: {  	s1 =	rddreg [dreg:$0x1];
	p0 =	sne.s32 s2, $0x0  }
0xae: {  	s3 =	rddreg [dreg:$0x2];
	[bflag:$0x3] =	sbarrier.arrive $0xFFFF;
	s2 =	simm.s32 @!p0 $0x1C02  }
0xaf: {  	[timem:s3], [sflag:s2] =	dma.local @!p0 [hbm:s0], s1  }
0xb0: {  	s0 =	simm.s32 @!p0 $0x2  }
0xb1: {  	_ =	swait.ge @!p0 [sflag:s0], s1  }
0xb2: {  	s1 =	ssub.s32 @!p0 $0x0, s1;
	[sflag:s0] =	ssyncset.done @!p0 $0x0  }
0xb3: {  	[sflag:s0] =	ssyncadd.s32 @!p0 s1  }
0xb4: {  	[bflag:$0x3] =	sbarrier.arrive $0xFFFF  }
0xb5: {  	_ =	shalt  }

</sc_bundles>
